<compile_context>
chip_gen: v7x
topology: tpu7x:2x2x1
jax: 0.10.2.dev20260603
libtpu: 0.0.44.dev20260713+nightly
codegen_flags: <defaults>
</compile_context>

<pallas_src>
import functools

import jax
import jax.numpy as jnp
from jax import lax
from jax.experimental import pallas as pl
from jax.experimental.pallas import tpu as pltpu
from jax.experimental.pallas import tpu_sc as plsc

E = 8
K = 2
D = 1024
H = 4096
N = 2048
NK = N * K
BM = 128
P = NK + E * BM
NB = P // BM
NBP = 48
HT1 = 512
NH1 = H // HT1

NC = 2
NS = 16
NW = NC * NS


def _gelu_exact(v):
    return v * 0.5 * (1.0 + jax.lax.erf(v * (2.0 ** -0.5)))


def _router_body(x_ref, wg_ref, g_ref, e_ref, xb_ref):
    xv = x_ref[...]
    xb_ref[...] = xv.astype(jnp.bfloat16)
    wg = wg_ref[0:E, :]
    logits = jax.lax.dot_general(xv, wg, (((1,), (1,)), ((), ())),
                                 preferred_element_type=jnp.float32)
    m = jnp.max(logits, axis=1, keepdims=True)
    p = jnp.exp(logits - m)
    p = p / jnp.sum(p, axis=1, keepdims=True)
    cols = jax.lax.broadcasted_iota(jnp.int32, p.shape, 1)
    m1 = jnp.max(p, axis=1, keepdims=True)
    i1 = jnp.min(jnp.where(p == m1, cols, E), axis=1, keepdims=True)
    mask1 = cols == i1
    p2 = jnp.where(mask1, -1.0, p)
    m2 = jnp.max(p2, axis=1, keepdims=True)
    i2 = jnp.min(jnp.where(p2 == m2, cols, E), axis=1, keepdims=True)
    g_ref[...] = jnp.concatenate([m1, m2], axis=1)
    e_ref[...] = jnp.concatenate([i1, i2], axis=1)


def _router(xf, Wg, interpret=False):
    return pl.pallas_call(
        _router_body,
        out_shape=(jax.ShapeDtypeStruct((N, K), jnp.float32),
                   jax.ShapeDtypeStruct((N, K), jnp.int32),
                   jax.ShapeDtypeStruct((N, D), jnp.bfloat16)),
        interpret=interpret,
    )(xf, Wg)


def _dispatch_body(e_hbm, dest_hbm, bexp_hbm,
                   e_v, dest_v, bexp_v, run_v, sem):
    cid = lax.axis_index("c")
    sid = lax.axis_index("s")

    @pl.when(jnp.logical_and(cid == 0, sid == 0))
    def _():
        pltpu.sync_copy(e_hbm, e_v)
        lanes = jax.lax.broadcasted_iota(jnp.int32, (16,), 0)
        zeros16 = jnp.zeros((16,), jnp.int32)

        def count_body(i, cnt):
            v = e_v[pl.ds(i * 16, 16)]
            for e in range(E):
                ce = jnp.sum(jnp.where(v == e, 1, 0))
                cnt = cnt + jnp.where(lanes == e, ce, 0)
            return cnt

        cnt = lax.fori_loop(0, NK // 16, count_body, zeros16)
        padded = jnp.bitwise_and(cnt + (BM - 1), jnp.int32(-BM))
        ends = plsc.cumsum(padded)
        offs = ends - padded
        run_v[...] = offs

        for bv in range(NBP // 16):
            bexp_v[pl.ds(bv * 16, 16)] = zeros16

        def rank_body(i, _):
            v = e_v[pl.ds(i * 16, 16)]
            base = plsc.load_gather(run_v, [v])
            rank = jnp.zeros((16,), jnp.int32)
            run = run_v[...]
            for e in range(E):
                msk = v == e
                cs = plsc.cumsum(jnp.where(msk, 1, 0))
                rank = jnp.where(msk, cs - 1, rank)
                run = run + jnp.where(lanes == e, jnp.sum(jnp.where(msk, 1, 0)), 0)
            run_v[...] = run
            dest = base + rank
            dest_v[pl.ds(i * 16, 16)] = dest
            plsc.store_scatter(bexp_v, [jnp.right_shift(dest, BM.bit_length() - 1)], v)
            return 0

        lax.fori_loop(0, NK // 16, rank_body, 0)
        pltpu.sync_copy(dest_v, dest_hbm)
        pltpu.sync_copy(bexp_v, bexp_hbm)


def _dispatch(e_flat):
    mesh = plsc.VectorSubcoreMesh(core_axis_name="c", subcore_axis_name="s")
    f = functools.partial(
        pl.kernel, mesh=mesh,
        compiler_params=pltpu.CompilerParams(needs_layout_passes=False),
        out_type=(jax.ShapeDtypeStruct((NK,), jnp.int32),
                  jax.ShapeDtypeStruct((NBP,), jnp.int32)),
        scratch_types=[
            pltpu.VMEM((NK,), jnp.int32),
            pltpu.VMEM((NK,), jnp.int32),
            pltpu.VMEM((NBP,), jnp.int32),
            pltpu.VMEM((16,), jnp.int32),
            pltpu.SemaphoreType.DMA,
        ],
    )(_dispatch_body)
    return f(e_flat)


RW = D // 2
STOK = N // NW


def _scatter_body(xpk_hbm, dest_hbm, xpad_hbm, didx, ia, ib, rows, sem):
    cid = lax.axis_index("c")
    sid = lax.axis_index("s")
    wid = sid * NC + cid
    tb = wid * STOK
    pltpu.sync_copy(xpk_hbm.at[pl.ds(tb, STOK)], rows)
    pltpu.sync_copy(dest_hbm.at[pl.ds(2 * tb, 2 * STOK)], didx)
    lanes = jax.lax.broadcasted_iota(jnp.int32, (16,), 0)
    for v in range(STOK // 16):
        t = lanes + 16 * v
        ia[pl.ds(16 * v, 16)] = plsc.load_gather(didx, [2 * t])
        ib[pl.ds(16 * v, 16)] = plsc.load_gather(didx, [2 * t + 1])
    ca = pltpu.async_copy(rows, xpad_hbm.at[ia], sem)
    cb = pltpu.async_copy(rows, xpad_hbm.at[ib], sem)
    ca.wait()
    cb.wait()


def _scatter(xpk, dest):
    mesh = plsc.VectorSubcoreMesh(core_axis_name="c", subcore_axis_name="s")
    f = functools.partial(
        pl.kernel, mesh=mesh,
        compiler_params=pltpu.CompilerParams(needs_layout_passes=False),
        out_type=jax.ShapeDtypeStruct((P, RW), jnp.int32),
        scratch_types=[
            pltpu.VMEM((2 * STOK,), jnp.int32),
            pltpu.VMEM((STOK,), jnp.int32),
            pltpu.VMEM((STOK,), jnp.int32),
            pltpu.VMEM((STOK, RW), jnp.int32),
            pltpu.SemaphoreType.DMA,
        ],
    )(_scatter_body)
    return f(xpk, dest)


def _d1_body(bexp_ref, xp_ref, w1_ref, hid_ref):
    hid_ref[...] = _gelu_exact(
        jax.lax.dot_general(xp_ref[...], w1_ref[0], (((1,), (0,)), ((), ())),
                            preferred_element_type=jnp.float32)
    ).astype(jnp.bfloat16)


def _d1(bexp, xpad, W1, interpret=False):
    grid_spec = pltpu.PrefetchScalarGridSpec(
        num_scalar_prefetch=1,
        grid=(NB,),
        in_specs=[
            pl.BlockSpec((BM, D), lambda b, be: (b, 0)),
            pl.BlockSpec((1, D, H), lambda b, be: (be[b], 0, 0)),
        ],
        out_specs=pl.BlockSpec((BM, H), lambda b, be: (b, 0)),
    )
    return pl.pallas_call(
        _d1_body, grid_spec=grid_spec,
        out_shape=jax.ShapeDtypeStruct((P, H), jnp.bfloat16),
        interpret=interpret,
    )(bexp, xpad, W1)


def _d2_body(bexp_ref, hid_ref, w2_ref, yp_ref):
    yp_ref[...] = jax.lax.dot_general(
        hid_ref[...], w2_ref[0], (((1,), (0,)), ((), ())),
        preferred_element_type=jnp.float32)


def _d2(bexp, hid, W2, interpret=False):
    grid_spec = pltpu.PrefetchScalarGridSpec(
        num_scalar_prefetch=1,
        grid=(NB,),
        in_specs=[
            pl.BlockSpec((BM, H), lambda b, be: (b, 0)),
            pl.BlockSpec((1, H, D), lambda b, be: (be[b], 0, 0)),
        ],
        out_specs=pl.BlockSpec((BM, D), lambda b, be: (b, 0)),
    )
    return pl.pallas_call(
        _d2_body, grid_spec=grid_spec,
        out_shape=jax.ShapeDtypeStruct((P, D), jnp.float32),
        interpret=interpret,
    )(bexp, hid, W2)


CTOK = 32
CNCH = (N // NW) // CTOK


def _combine_body(ypad_hbm, dest_hbm, g_hbm, y_hbm,
                  didx_v, g_v, rows_v, y_v, sem):
    cid = lax.axis_index("c")
    sid = lax.axis_index("s")
    wid = sid * NC + cid
    tpt = N // NW
    for ch in range(CNCH):
        tb = wid * tpt + CTOK * ch
        pltpu.sync_copy(dest_hbm.at[pl.ds(2 * tb, 2 * CTOK)], didx_v)
        pltpu.sync_copy(g_hbm.at[pl.ds(2 * tb, 2 * CTOK)], g_v)
        pltpu.async_copy(ypad_hbm.at[didx_v], rows_v, sem).wait()

        def tbody(t, _):
            ga = plsc.load_gather(g_v, [jnp.full((16,), 2 * t, jnp.int32)])
            gb = plsc.load_gather(g_v, [jnp.full((16,), 2 * t + 1, jnp.int32)])

            def vbody(vi, __):
                sl = pl.ds(vi * 16, 16)
                y_v[t, sl] = ga * rows_v[2 * t, sl] + gb * rows_v[2 * t + 1, sl]
                return 0

            return lax.fori_loop(0, D // 16, vbody, 0)

        lax.fori_loop(0, CTOK, tbody, 0)
        pltpu.sync_copy(y_v, y_hbm.at[pl.ds(tb, CTOK)])


def _combine(ypad, dest, g_flat):
    mesh = plsc.VectorSubcoreMesh(core_axis_name="c", subcore_axis_name="s")
    f = functools.partial(
        pl.kernel, mesh=mesh,
        compiler_params=pltpu.CompilerParams(needs_layout_passes=False),
        out_type=jax.ShapeDtypeStruct((N, D), jnp.float32),
        scratch_types=[
            pltpu.VMEM((2 * CTOK,), jnp.int32),
            pltpu.VMEM((2 * CTOK,), jnp.float32),
            pltpu.VMEM((2 * CTOK, D), jnp.float32),
            pltpu.VMEM((CTOK, D), jnp.float32),
            pltpu.SemaphoreType.DMA,
        ],
    )(_combine_body)
    return f(ypad, dest, g_flat)


def kernel(x, Wg, W1, W2):
    Bs, Ss, Dm = x.shape
    xf = x.reshape(-1, Dm)
    W1b = W1.astype(jnp.bfloat16)
    W2b = W2.astype(jnp.bfloat16)
    g2, e2, xb = _router(xf, Wg)
    e_flat = e2.reshape(-1)
    g_flat = g2.reshape(-1)
    dest, bexp = _dispatch(e_flat)
    xpk = jax.lax.bitcast_convert_type(xb.reshape(N, RW, 2), jnp.int32)
    xpad_pk = _scatter(xpk, dest)
    xpad = jax.lax.bitcast_convert_type(xpad_pk, jnp.bfloat16).reshape(P, D)
    hid = _d1(bexp, xpad, W1b)
    ypad = _d2(bexp, hid, W2b)
    y = _combine(ypad, dest, g_flat)
    return y.reshape(Bs, Ss, Dm)

# --- scband reference (transcript-rebuilt; emitter-appended) ---
"""Pipeline reference for scband-mo-e-71579924955713 (READ-ONLY COPY).

The authoritative reference and input builder live on the scoring server;
editing this copy changes nothing except your own understanding.
"""

import jax, jax.numpy as jnp
import numpy as np

E = 8
K = 2
D = 1024
H = 4096
B = 1
S = 2048


def setup_inputs(seed: int = 0) -> dict:
    key = jax.random.key(seed)
    k1, k2, k3, k4 = jax.random.split(key, 4)
    x = jax.random.normal(k1, (B, S, D), dtype=jnp.float32)
    # f_gate: nn.Linear(input_size, 2*E, bias=False) -> weight [2E, D]
    # (init is zeros in torch; use small random values so routing is nontrivial)
    Wg = jax.random.normal(k2, (2 * E, D), dtype=jnp.float32) * 0.02
    # experts.weight ~ U(-1/in, 1/in)
    W1 = jax.random.uniform(k3, (E, D, H), minval=-1.0 / D, maxval=1.0 / D, dtype=jnp.float32)
    W2 = jax.random.uniform(k4, (E, H, D), minval=-1.0 / H, maxval=1.0 / H, dtype=jnp.float32)
    return {"x": x, "Wg": Wg, "W1": W1, "W2": W2}


def reference(x, Wg, W1, W2):
    # MoE.forward in eval mode (noisy gating disabled outside training)
    Bs, Ss, Dm = x.shape
    xf = x.reshape(-1, Dm)
    N = xf.shape[0]
    logits_full = xf @ Wg.T                      # [N, 2E]
    clean_logits = logits_full[:, :E]            # noise branch unused in eval
    probs = jax.nn.softmax(clean_logits, axis=1)  # [N, E]
    top_k_gates, top_k_indices = jax.lax.top_k(probs, K)  # [N, K]
    tg_flat = top_k_gates.reshape(-1)            # [N*K]
    te_flat = top_k_indices.reshape(-1)          # [N*K]
    # softmax probs are strictly positive -> nonzero filter keeps everything
    order = jnp.argsort(te_flat)                 # stable sort by expert id
    index_sorted_experts = order
    batch_index = index_sorted_experts // K      # source token for each assignment
    batch_gates = tg_flat[index_sorted_experts]
    sorted_experts = te_flat[index_sorted_experts]
    expert_inputs = xf[batch_index]              # gather tokens, grouped by expert
    expert_outputs = jnp.zeros((N * K, Dm), dtype=x.dtype)
    for i in range(E):
        h = jax.nn.gelu(expert_inputs @ W1[i], approximate=False)  # nn.GELU (exact erf)
        out_i = h @ W2[i]
        mask = (sorted_experts == i)[:, None]
        expert_outputs = jnp.where(mask, out_i, expert_outputs)
    expert_outputs = expert_outputs * batch_gates[:, None]
    y = jnp.zeros((N, Dm), dtype=x.dtype).at[batch_index].add(expert_outputs)
    return y.reshape(Bs, Ss, Dm)

if __name__ == "__main__":
    import jax
    _d = setup_inputs()
    print(jax.jit(kernel)(*tuple(_d.values())))

</pallas_src>

<mosaic_0001>
#map = affine_map<(d0, d1) -> (0)>
module attributes {stable_mosaic.version = 14 : i64} {
  func.func @_dispatch_body(%arg0: i32, %arg1: i32, %arg2: memref<4096xi32, #tpu.memory_space<hbm>>, %arg3: memref<4096xi32, #tpu.memory_space<hbm>>, %arg4: memref<48xi32, #tpu.memory_space<hbm>>, %arg5: memref<4096xi32, #tpu.memory_space<vmem>>, %arg6: memref<4096xi32, #tpu.memory_space<vmem>>, %arg7: memref<48xi32, #tpu.memory_space<vmem>>, %arg8: memref<16xi32, #tpu.memory_space<vmem>>, %arg9: memref<!tpu.dma_semaphore, #tpu.memory_space<semaphore_mem>>) attributes {dimension_semantics = [#tpu.dimension_semantics<core_parallel>, #tpu.dimension_semantics<subcore_parallel>], iteration_bounds = array<i64: 2, 16>, scalar_prefetch = 0 : i64, scratch_operands = 5 : i64, tpu.core_type = #tpu.core_type<sc_vector_subcore>, window_params = [{transform_indices = #map}, {transform_indices = #map}, {transform_indices = #map}]} {
    %eq3A = arith.constant 0 : i32
    %eq3A_0 = arith.cmpi eq, %arg0, %eq3A : i32
    %eq3A_1 = arith.constant 0 : i32
    %eq3A_2 = arith.cmpi eq, %arg1, %eq3A_1 : i32
    %and3A = arith.andi %eq3A_0, %eq3A_2 : i1
    %convert_element_type3A = arith.extui %and3A : i1 to i32
    %cond3A = arith.constant 0 : i32
    %cond3A_3 = arith.cmpi ne, %convert_element_type3A, %cond3A : i32
    scf.if %cond3A_3 {
      "tpu.region"() ({
        %run_scoped3A = tpu.sem_alloc : memref<!tpu.dma_semaphore, #tpu.memory_space<semaphore_mem>>
        tpu.enqueue_dma source(%arg2 : memref<4096xi32, #tpu.memory_space<hbm>>) target(%arg5 : memref<4096xi32, #tpu.memory_space<vmem>>) target_semaphore(%run_scoped3A : memref<!tpu.dma_semaphore, #tpu.memory_space<semaphore_mem>>)
        tpu.wait_dma2 semaphore(%run_scoped3A : memref<!tpu.dma_semaphore, #tpu.memory_space<semaphore_mem>>) src(%arg2 : memref<4096xi32, #tpu.memory_space<hbm>>) dst(%arg5 : memref<4096xi32, #tpu.memory_space<vmem>>)
        tpu.yield
      }) : () -> ()
      %iota3A = tpu.iota {dimensions = array<i32: 0>} : vector<16xi32>
      %broadcast_in_dim3A = arith.constant 0 : i32
      %broadcast_in_dim3A_4 = vector.broadcast %broadcast_in_dim3A : i32 to vector<16xi32>
      %scan3A = arith.constant 0 : i32
      %scan3A_5 = arith.constant 256 : i32
      %scan3A_6 = arith.addi %scan3A, %scan3A_5 : i32
      %scan3A_7 = arith.constant 1 : i32
      %scan3A_8 = scf.for %scan3A_31 = %scan3A to %scan3A_6 step %scan3A_7 iter_args(%scan3A_32 = %broadcast_in_dim3A_4) -> (vector<16xi32>)  : i32 {
        %mul3A = arith.constant 16 : i32
        %mul3A_33 = arith.muli %scan3A_31, %mul3A : i32
        %get3A = arith.index_cast %mul3A_33 : i32 to index
        %get3A_34 = tpu.vector_load %arg5[%get3A] {strides = array<i32>} : memref<4096xi32, #tpu.memory_space<vmem>>, vector<16xi32>,
        %eq3A_35 = arith.constant 0 : i32
        %eq3A_36 = vector.broadcast %eq3A_35 : i32 to vector<16xi32>
        %eq3A_37 = arith.cmpi eq, %get3A_34, %eq3A_36 : vector<16xi32>
        %jit3A = arith.constant 1 : i32
        %jit3A_38 = arith.constant 0 : i32
        %broadcast_in_dim3A_39 = vector.broadcast %jit3A : i32 to vector<16xi32>
        %broadcast_in_dim3A_40 = vector.broadcast %jit3A_38 : i32 to vector<16xi32>
        %select_n3A = arith.select %eq3A_37, %broadcast_in_dim3A_39, %broadcast_in_dim3A_40 : vector<16xi1>, vector<16xi32>
        %reduce_sum3A = arith.constant true
        %reduce_sum3A_41 = vector.broadcast %reduce_sum3A : i1 to vector<16xi1>
        %reduce_sum3A_42 = tpu.scan <sum>, %select_n3A masked %reduce_sum3A_41 : vector<16xi32>, vector<16xi1> -> vector<16xi32>
        %reduce_sum3A_43 = vector.extract %reduce_sum3A_42[15] : i32 from vector<16xi32>
        %eq3A_44 = arith.constant 0 : i32
        %eq3A_45 = vector.broadcast %eq3A_44 : i32 to vector<16xi32>
        %eq3A_46 = arith.cmpi eq, %iota3A, %eq3A_45 : vector<16xi32>
        %jit3A_47 = arith.constant 0 : i32
        %broadcast_in_dim3A_48 = vector.broadcast %reduce_sum3A_43 : i32 to vector<16xi32>
        %broadcast_in_dim3A_49 = vector.broadcast %jit3A_47 : i32 to vector<16xi32>
        %select_n3A_50 = arith.select %eq3A_46, %broadcast_in_dim3A_48, %broadcast_in_dim3A_49 : vector<16xi1>, vector<16xi32>
        %add3A_51 = arith.addi %scan3A_32, %select_n3A_50 : vector<16xi32>
        %eq3A_52 = arith.constant 1 : i32
        %eq3A_53 = vector.broadcast %eq3A_52 : i32 to vector<16xi32>
        %eq3A_54 = arith.cmpi eq, %get3A_34, %eq3A_53 : vector<16xi32>
        %jit3A_55 = arith.constant 1 : i32
        %jit3A_56 = arith.constant 0 : i32
        %broadcast_in_dim3A_57 = vector.broadcast %jit3A_55 : i32 to vector<16xi32>
        %broadcast_in_dim3A_58 = vector.broadcast %jit3A_56 : i32 to vector<16xi32>
        %select_n3A_59 = arith.select %eq3A_54, %broadcast_in_dim3A_57, %broadcast_in_dim3A_58 : vector<16xi1>, vector<16xi32>
        %reduce_sum3A_60 = arith.constant true
        %reduce_sum3A_61 = vector.broadcast %reduce_sum3A_60 : i1 to vector<16xi1>
        %reduce_sum3A_62 = tpu.scan <sum>, %select_n3A_59 masked %reduce_sum3A_61 : vector<16xi32>, vector<16xi1> -> vector<16xi32>
        %reduce_sum3A_63 = vector.extract %reduce_sum3A_62[15] : i32 from vector<16xi32>
        %eq3A_64 = arith.constant 1 : i32
        %eq3A_65 = vector.broadcast %eq3A_64 : i32 to vector<16xi32>
        %eq3A_66 = arith.cmpi eq, %iota3A, %eq3A_65 : vector<16xi32>
        %jit3A_67 = arith.constant 0 : i32
        %broadcast_in_dim3A_68 = vector.broadcast %reduce_sum3A_63 : i32 to vector<16xi32>
        %broadcast_in_dim3A_69 = vector.broadcast %jit3A_67 : i32 to vector<16xi32>
        %select_n3A_70 = arith.select %eq3A_66, %broadcast_in_dim3A_68, %broadcast_in_dim3A_69 : vector<16xi1>, vector<16xi32>
        %add3A_71 = arith.addi %add3A_51, %select_n3A_70 : vector<16xi32>
        %eq3A_72 = arith.constant 2 : i32
        %eq3A_73 = vector.broadcast %eq3A_72 : i32 to vector<16xi32>
        %eq3A_74 = arith.cmpi eq, %get3A_34, %eq3A_73 : vector<16xi32>
        %jit3A_75 = arith.constant 1 : i32
        %jit3A_76 = arith.constant 0 : i32
        %broadcast_in_dim3A_77 = vector.broadcast %jit3A_75 : i32 to vector<16xi32>
        %broadcast_in_dim3A_78 = vector.broadcast %jit3A_76 : i32 to vector<16xi32>
        %select_n3A_79 = arith.select %eq3A_74, %broadcast_in_dim3A_77, %broadcast_in_dim3A_78 : vector<16xi1>, vector<16xi32>
        %reduce_sum3A_80 = arith.constant true
        %reduce_sum3A_81 = vector.broadcast %reduce_sum3A_80 : i1 to vector<16xi1>
        %reduce_sum3A_82 = tpu.scan <sum>, %select_n3A_79 masked %reduce_sum3A_81 : vector<16xi32>, vector<16xi1> -> vector<16xi32>
        %reduce_sum3A_83 = vector.extract %reduce_sum3A_82[15] : i32 from vector<16xi32>
        %eq3A_84 = arith.constant 2 : i32
        %eq3A_85 = vector.broadcast %eq3A_84 : i32 to vector<16xi32>
        %eq3A_86 = arith.cmpi eq, %iota3A, %eq3A_85 : vector<16xi32>
        %jit3A_87 = arith.constant 0 : i32
        %broadcast_in_dim3A_88 = vector.broadcast %reduce_sum3A_83 : i32 to vector<16xi32>
        %broadcast_in_dim3A_89 = vector.broadcast %jit3A_87 : i32 to vector<16xi32>
        %select_n3A_90 = arith.select %eq3A_86, %broadcast_in_dim3A_88, %broadcast_in_dim3A_89 : vector<16xi1>, vector<16xi32>
        %add3A_91 = arith.addi %add3A_71, %select_n3A_90 : vector<16xi32>
        %eq3A_92 = arith.constant 3 : i32
        %eq3A_93 = vector.broadcast %eq3A_92 : i32 to vector<16xi32>
        %eq3A_94 = arith.cmpi eq, %get3A_34, %eq3A_93 : vector<16xi32>
        %jit3A_95 = arith.constant 1 : i32
        %jit3A_96 = arith.constant 0 : i32
        %broadcast_in_dim3A_97 = vector.broadcast %jit3A_95 : i32 to vector<16xi32>
        %broadcast_in_dim3A_98 = vector.broadcast %jit3A_96 : i32 to vector<16xi32>
        %select_n3A_99 = arith.select %eq3A_94, %broadcast_in_dim3A_97, %broadcast_in_dim3A_98 : vector<16xi1>, vector<16xi32>
        %reduce_sum3A_100 = arith.constant true
        %reduce_sum3A_101 = vector.broadcast %reduce_sum3A_100 : i1 to vector<16xi1>
        %reduce_sum3A_102 = tpu.scan <sum>, %select_n3A_99 masked %reduce_sum3A_101 : vector<16xi32>, vector<16xi1> -> vector<16xi32>
        %reduce_sum3A_103 = vector.extract %reduce_sum3A_102[15] : i32 from vector<16xi32>
        %eq3A_104 = arith.constant 3 : i32
        %eq3A_105 = vector.broadcast %eq3A_104 : i32 to vector<16xi32>
        %eq3A_106 = arith.cmpi eq, %iota3A, %eq3A_105 : vector<16xi32>
        %jit3A_107 = arith.constant 0 : i32
        %broadcast_in_dim3A_108 = vector.broadcast %reduce_sum3A_103 : i32 to vector<16xi32>
        %broadcast_in_dim3A_109 = vector.broadcast %jit3A_107 : i32 to vector<16xi32>
        %select_n3A_110 = arith.select %eq3A_106, %broadcast_in_dim3A_108, %broadcast_in_dim3A_109 : vector<16xi1>, vector<16xi32>
        %add3A_111 = arith.addi %add3A_91, %select_n3A_110 : vector<16xi32>
        %eq3A_112 = arith.constant 4 : i32
        %eq3A_113 = vector.broadcast %eq3A_112 : i32 to vector<16xi32>
        %eq3A_114 = arith.cmpi eq, %get3A_34, %eq3A_113 : vector<16xi32>
        %jit3A_115 = arith.constant 1 : i32
        %jit3A_116 = arith.constant 0 : i32
        %broadcast_in_dim3A_117 = vector.broadcast %jit3A_115 : i32 to vector<16xi32>
        %broadcast_in_dim3A_118 = vector.broadcast %jit3A_116 : i32 to vector<16xi32>
        %select_n3A_119 = arith.select %eq3A_114, %broadcast_in_dim3A_117, %broadcast_in_dim3A_118 : vector<16xi1>, vector<16xi32>
        %reduce_sum3A_120 = arith.constant true
        %reduce_sum3A_121 = vector.broadcast %reduce_sum3A_120 : i1 to vector<16xi1>
        %reduce_sum3A_122 = tpu.scan <sum>, %select_n3A_119 masked %reduce_sum3A_121 : vector<16xi32>, vector<16xi1> -> vector<16xi32>
        %reduce_sum3A_123 = vector.extract %reduce_sum3A_122[15] : i32 from vector<16xi32>
        %eq3A_124 = arith.constant 4 : i32
        %eq3A_125 = vector.broadcast %eq3A_124 : i32 to vector<16xi32>
        %eq3A_126 = arith.cmpi eq, %iota3A, %eq3A_125 : vector<16xi32>
        %jit3A_127 = arith.constant 0 : i32
        %broadcast_in_dim3A_128 = vector.broadcast %reduce_sum3A_123 : i32 to vector<16xi32>
        %broadcast_in_dim3A_129 = vector.broadcast %jit3A_127 : i32 to vector<16xi32>
        %select_n3A_130 = arith.select %eq3A_126, %broadcast_in_dim3A_128, %broadcast_in_dim3A_129 : vector<16xi1>, vector<16xi32>
        %add3A_131 = arith.addi %add3A_111, %select_n3A_130 : vector<16xi32>
        %eq3A_132 = arith.constant 5 : i32
        %eq3A_133 = vector.broadcast %eq3A_132 : i32 to vector<16xi32>
        %eq3A_134 = arith.cmpi eq, %get3A_34, %eq3A_133 : vector<16xi32>
        %jit3A_135 = arith.constant 1 : i32
        %jit3A_136 = arith.constant 0 : i32
        %broadcast_in_dim3A_137 = vector.broadcast %jit3A_135 : i32 to vector<16xi32>
        %broadcast_in_dim3A_138 = vector.broadcast %jit3A_136 : i32 to vector<16xi32>
        %select_n3A_139 = arith.select %eq3A_134, %broadcast_in_dim3A_137, %broadcast_in_dim3A_138 : vector<16xi1>, vector<16xi32>
        %reduce_sum3A_140 = arith.constant true
        %reduce_sum3A_141 = vector.broadcast %reduce_sum3A_140 : i1 to vector<16xi1>
        %reduce_sum3A_142 = tpu.scan <sum>, %select_n3A_139 masked %reduce_sum3A_141 : vector<16xi32>, vector<16xi1> -> vector<16xi32>
        %reduce_sum3A_143 = vector.extract %reduce_sum3A_142[15] : i32 from vector<16xi32>
        %eq3A_144 = arith.constant 5 : i32
        %eq3A_145 = vector.broadcast %eq3A_144 : i32 to vector<16xi32>
        %eq3A_146 = arith.cmpi eq, %iota3A, %eq3A_145 : vector<16xi32>
        %jit3A_147 = arith.constant 0 : i32
        %broadcast_in_dim3A_148 = vector.broadcast %reduce_sum3A_143 : i32 to vector<16xi32>
        %broadcast_in_dim3A_149 = vector.broadcast %jit3A_147 : i32 to vector<16xi32>
        %select_n3A_150 = arith.select %eq3A_146, %broadcast_in_dim3A_148, %broadcast_in_dim3A_149 : vector<16xi1>, vector<16xi32>
        %add3A_151 = arith.addi %add3A_131, %select_n3A_150 : vector<16xi32>
        %eq3A_152 = arith.constant 6 : i32
        %eq3A_153 = vector.broadcast %eq3A_152 : i32 to vector<16xi32>
        %eq3A_154 = arith.cmpi eq, %get3A_34, %eq3A_153 : vector<16xi32>
        %jit3A_155 = arith.constant 1 : i32
        %jit3A_156 = arith.constant 0 : i32
        %broadcast_in_dim3A_157 = vector.broadcast %jit3A_155 : i32 to vector<16xi32>
        %broadcast_in_dim3A_158 = vector.broadcast %jit3A_156 : i32 to vector<16xi32>
        %select_n3A_159 = arith.select %eq3A_154, %broadcast_in_dim3A_157, %broadcast_in_dim3A_158 : vector<16xi1>, vector<16xi32>
        %reduce_sum3A_160 = arith.constant true
        %reduce_sum3A_161 = vector.broadcast %reduce_sum3A_160 : i1 to vector<16xi1>
        %reduce_sum3A_162 = tpu.scan <sum>, %select_n3A_159 masked %reduce_sum3A_161 : vector<16xi32>, vector<16xi1> -> vector<16xi32>
        %reduce_sum3A_163 = vector.extract %reduce_sum3A_162[15] : i32 from vector<16xi32>
        %eq3A_164 = arith.constant 6 : i32
        %eq3A_165 = vector.broadcast %eq3A_164 : i32 to vector<16xi32>
        %eq3A_166 = arith.cmpi eq, %iota3A, %eq3A_165 : vector<16xi32>
        %jit3A_167 = arith.constant 0 : i32
        %broadcast_in_dim3A_168 = vector.broadcast %reduce_sum3A_163 : i32 to vector<16xi32>
        %broadcast_in_dim3A_169 = vector.broadcast %jit3A_167 : i32 to vector<16xi32>
        %select_n3A_170 = arith.select %eq3A_166, %broadcast_in_dim3A_168, %broadcast_in_dim3A_169 : vector<16xi1>, vector<16xi32>
        %add3A_171 = arith.addi %add3A_151, %select_n3A_170 : vector<16xi32>
        %eq3A_172 = arith.constant 7 : i32
        %eq3A_173 = vector.broadcast %eq3A_172 : i32 to vector<16xi32>
        %eq3A_174 = arith.cmpi eq, %get3A_34, %eq3A_173 : vector<16xi32>
        %jit3A_175 = arith.constant 1 : i32
        %jit3A_176 = arith.constant 0 : i32
        %broadcast_in_dim3A_177 = vector.broadcast %jit3A_175 : i32 to vector<16xi32>
        %broadcast_in_dim3A_178 = vector.broadcast %jit3A_176 : i32 to vector<16xi32>
        %select_n3A_179 = arith.select %eq3A_174, %broadcast_in_dim3A_177, %broadcast_in_dim3A_178 : vector<16xi1>, vector<16xi32>
        %reduce_sum3A_180 = arith.constant true
        %reduce_sum3A_181 = vector.broadcast %reduce_sum3A_180 : i1 to vector<16xi1>
        %reduce_sum3A_182 = tpu.scan <sum>, %select_n3A_179 masked %reduce_sum3A_181 : vector<16xi32>, vector<16xi1> -> vector<16xi32>
        %reduce_sum3A_183 = vector.extract %reduce_sum3A_182[15] : i32 from vector<16xi32>
        %eq3A_184 = arith.constant 7 : i32
        %eq3A_185 = vector.broadcast %eq3A_184 : i32 to vector<16xi32>
        %eq3A_186 = arith.cmpi eq, %iota3A, %eq3A_185 : vector<16xi32>
        %jit3A_187 = arith.constant 0 : i32
        %broadcast_in_dim3A_188 = vector.broadcast %reduce_sum3A_183 : i32 to vector<16xi32>
        %broadcast_in_dim3A_189 = vector.broadcast %jit3A_187 : i32 to vector<16xi32>
        %select_n3A_190 = arith.select %eq3A_186, %broadcast_in_dim3A_188, %broadcast_in_dim3A_189 : vector<16xi1>, vector<16xi32>
        %add3A_191 = arith.addi %add3A_171, %select_n3A_190 : vector<16xi32>
        scf.yield %add3A_191 : vector<16xi32>
      }
      %scan3A_9 = arith.constant 256 : i32
      %add3A = arith.constant 127 : i32
      %add3A_10 = vector.broadcast %add3A : i32 to vector<16xi32>
      %add3A_11 = arith.addi %scan3A_8, %add3A_10 : vector<16xi32>
      %and3A_12 = arith.constant -128 : i32
      %and3A_13 = vector.broadcast %and3A_12 : i32 to vector<16xi32>
      %and3A_14 = arith.andi %add3A_11, %and3A_13 : vector<16xi32>
      %broadcast_in_dim3A_15 = arith.constant true
      %broadcast_in_dim3A_16 = vector.broadcast %broadcast_in_dim3A_15 : i1 to vector<16xi1>
      %masked_cumsum3A = tpu.scan <sum>, %and3A_14 masked %broadcast_in_dim3A_16 : vector<16xi32>, vector<16xi1> -> vector<16xi32>
      %sub3A = arith.subi %masked_cumsum3A, %and3A_14 : vector<16xi32>
      %swap3A = arith.constant 0 : index
      %swap3A_17 = tpu.vector_load %arg8[%swap3A] {strides = array<i32>} : memref<16xi32, #tpu.memory_space<vmem>>, vector<16xi32>,
      tpu.vector_store %arg8[%swap3A], %sub3A {strides = array<i32>} : memref<16xi32, #tpu.memory_space<vmem>>, vector<16xi32>,
      %swap3A_18 = arith.constant 0 : index
      %swap3A_19 = tpu.vector_load %arg7[%swap3A_18] {strides = array<i32>} : memref<48xi32, #tpu.memory_space<vmem>>, vector<16xi32>,
      tpu.vector_store %arg7[%swap3A_18], %broadcast_in_dim3A_4 {strides = array<i32>} : memref<48xi32, #tpu.memory_space<vmem>>, vector<16xi32>,
      %swap3A_20 = arith.constant 16 : index
      %swap3A_21 = tpu.vector_load %arg7[%swap3A_20] {strides = array<i32>} : memref<48xi32, #tpu.memory_space<vmem>>, vector<16xi32>,
      tpu.vector_store %arg7[%swap3A_20], %broadcast_in_dim3A_4 {strides = array<i32>} : memref<48xi32, #tpu.memory_space<vmem>>, vector<16xi32>,
      %swap3A_22 = arith.constant 32 : index
      %swap3A_23 = tpu.vector_load %arg7[%swap3A_22] {strides = array<i32>} : memref<48xi32, #tpu.memory_space<vmem>>, vector<16xi32>,
      tpu.vector_store %arg7[%swap3A_22], %broadcast_in_dim3A_4 {strides = array<i32>} : memref<48xi32, #tpu.memory_space<vmem>>, vector<16xi32>,
      %scan3A_24 = arith.constant 0 : i32
      %scan3A_25 = arith.constant 0 : i32
      %scan3A_26 = arith.constant 256 : i32
      %scan3A_27 = arith.addi %scan3A_25, %scan3A_26 : i32
      %scan3A_28 = arith.constant 1 : i32
      %scan3A_29 = scf.for %scan3A_31 = %scan3A_25 to %scan3A_27 step %scan3A_28 iter_args(%scan3A_32 = %scan3A_24) -> (i32)  : i32 {
        %mul3A = arith.constant 16 : i32
        %mul3A_33 = arith.muli %scan3A_31, %mul3A : i32
        %get3A = arith.index_cast %mul3A_33 : i32 to index
        %get3A_34 = tpu.vector_load %arg5[%get3A] {strides = array<i32>} : memref<4096xi32, #tpu.memory_space<vmem>>, vector<16xi32>,
        %gather3A = tpu.vector_load_idx %arg8[%get3A_34] : memref<16xi32, #tpu.memory_space<vmem>>[vector<16xi32>], vector<16xi32>,
        %broadcast_in_dim3A_35 = arith.constant 0 : i32
        %broadcast_in_dim3A_36 = vector.broadcast %broadcast_in_dim3A_35 : i32 to vector<16xi32>
        %get3A_37 = arith.constant 0 : index
        %get3A_38 = tpu.vector_load %arg8[%get3A_37] {strides = array<i32>} : memref<16xi32, #tpu.memory_space<vmem>>, vector<16xi32>,
        %eq3A_39 = arith.constant 0 : i32
        %eq3A_40 = vector.broadcast %eq3A_39 : i32 to vector<16xi32>
        %eq3A_41 = arith.cmpi eq, %get3A_34, %eq3A_40 : vector<16xi32>
        %jit3A = arith.constant 1 : i32
        %jit3A_42 = arith.constant 0 : i32
        %broadcast_in_dim3A_43 = vector.broadcast %jit3A : i32 to vector<16xi32>
        %broadcast_in_dim3A_44 = vector.broadcast %jit3A_42 : i32 to vector<16xi32>
        %select_n3A = arith.select %eq3A_41, %broadcast_in_dim3A_43, %broadcast_in_dim3A_44 : vector<16xi1>, vector<16xi32>
        %broadcast_in_dim3A_45 = arith.constant true
        %broadcast_in_dim3A_46 = vector.broadcast %broadcast_in_dim3A_45 : i1 to vector<16xi1>
        %masked_cumsum3A_47 = tpu.scan <sum>, %select_n3A masked %broadcast_in_dim3A_46 : vector<16xi32>, vector<16xi1> -> vector<16xi32>
        %sub3A_48 = arith.constant 1 : i32
        %sub3A_49 = vector.broadcast %sub3A_48 : i32 to vector<16xi32>
        %sub3A_50 = arith.subi %masked_cumsum3A_47, %sub3A_49 : vector<16xi32>
        %select_n3A_51 = arith.select %eq3A_41, %sub3A_50, %broadcast_in_dim3A_36 : vector<16xi1>, vector<16xi32>
        %eq3A_52 = arith.constant 0 : i32
        %eq3A_53 = vector.broadcast %eq3A_52 : i32 to vector<16xi32>
        %eq3A_54 = arith.cmpi eq, %iota3A, %eq3A_53 : vector<16xi32>
        %jit3A_55 = arith.constant 1 : i32
        %jit3A_56 = arith.constant 0 : i32
        %broadcast_in_dim3A_57 = vector.broadcast %jit3A_55 : i32 to vector<16xi32>
        %broadcast_in_dim3A_58 = vector.broadcast %jit3A_56 : i32 to vector<16xi32>
        %select_n3A_59 = arith.select %eq3A_41, %broadcast_in_dim3A_57, %broadcast_in_dim3A_58 : vector<16xi1>, vector<16xi32>
        %reduce_sum3A = arith.constant true
        %reduce_sum3A_60 = vector.broadcast %reduce_sum3A : i1 to vector<16xi1>
        %reduce_sum3A_61 = tpu.scan <sum>, %select_n3A_59 masked %reduce_sum3A_60 : vector<16xi32>, vector<16xi1> -> vector<16xi32>
        %reduce_sum3A_62 = vector.extract %reduce_sum3A_61[15] : i32 from vector<16xi32>
        %jit3A_63 = arith.constant 0 : i32
        %broadcast_in_dim3A_64 = vector.broadcast %reduce_sum3A_62 : i32 to vector<16xi32>
        %broadcast_in_dim3A_65 = vector.broadcast %jit3A_63 : i32 to vector<16xi32>
        %select_n3A_66 = arith.select %eq3A_54, %broadcast_in_dim3A_64, %broadcast_in_dim3A_65 : vector<16xi1>, vector<16xi32>
        %add3A_67 = arith.addi %get3A_38, %select_n3A_66 : vector<16xi32>
        %eq3A_68 = arith.constant 1 : i32
        %eq3A_69 = vector.broadcast %eq3A_68 : i32 to vector<16xi32>
        %eq3A_70 = arith.cmpi eq, %get3A_34, %eq3A_69 : vector<16xi32>
        %jit3A_71 = arith.constant 1 : i32
        %jit3A_72 = arith.constant 0 : i32
        %broadcast_in_dim3A_73 = vector.broadcast %jit3A_71 : i32 to vector<16xi32>
        %broadcast_in_dim3A_74 = vector.broadcast %jit3A_72 : i32 to vector<16xi32>
        %select_n3A_75 = arith.select %eq3A_70, %broadcast_in_dim3A_73, %broadcast_in_dim3A_74 : vector<16xi1>, vector<16xi32>
        %broadcast_in_dim3A_76 = arith.constant true
        %broadcast_in_dim3A_77 = vector.broadcast %broadcast_in_dim3A_76 : i1 to vector<16xi1>
        %masked_cumsum3A_78 = tpu.scan <sum>, %select_n3A_75 masked %broadcast_in_dim3A_77 : vector<16xi32>, vector<16xi1> -> vector<16xi32>
        %sub3A_79 = arith.constant 1 : i32
        %sub3A_80 = vector.broadcast %sub3A_79 : i32 to vector<16xi32>
        %sub3A_81 = arith.subi %masked_cumsum3A_78, %sub3A_80 : vector<16xi32>
        %select_n3A_82 = arith.select %eq3A_70, %sub3A_81, %select_n3A_51 : vector<16xi1>, vector<16xi32>
        %eq3A_83 = arith.constant 1 : i32
        %eq3A_84 = vector.broadcast %eq3A_83 : i32 to vector<16xi32>
        %eq3A_85 = arith.cmpi eq, %iota3A, %eq3A_84 : vector<16xi32>
        %jit3A_86 = arith.constant 1 : i32
        %jit3A_87 = arith.constant 0 : i32
        %broadcast_in_dim3A_88 = vector.broadcast %jit3A_86 : i32 to vector<16xi32>
        %broadcast_in_dim3A_89 = vector.broadcast %jit3A_87 : i32 to vector<16xi32>
        %select_n3A_90 = arith.select %eq3A_70, %broadcast_in_dim3A_88, %broadcast_in_dim3A_89 : vector<16xi1>, vector<16xi32>
        %reduce_sum3A_91 = arith.constant true
        %reduce_sum3A_92 = vector.broadcast %reduce_sum3A_91 : i1 to vector<16xi1>
        %reduce_sum3A_93 = tpu.scan <sum>, %select_n3A_90 masked %reduce_sum3A_92 : vector<16xi32>, vector<16xi1> -> vector<16xi32>
        %reduce_sum3A_94 = vector.extract %reduce_sum3A_93[15] : i32 from vector<16xi32>
        %jit3A_95 = arith.constant 0 : i32
        %broadcast_in_dim3A_96 = vector.broadcast %reduce_sum3A_94 : i32 to vector<16xi32>
        %broadcast_in_dim3A_97 = vector.broadcast %jit3A_95 : i32 to vector<16xi32>
        %select_n3A_98 = arith.select %eq3A_85, %broadcast_in_dim3A_96, %broadcast_in_dim3A_97 : vector<16xi1>, vector<16xi32>
        %add3A_99 = arith.addi %add3A_67, %select_n3A_98 : vector<16xi32>
        %eq3A_100 = arith.constant 2 : i32
        %eq3A_101 = vector.broadcast %eq3A_100 : i32 to vector<16xi32>
        %eq3A_102 = arith.cmpi eq, %get3A_34, %eq3A_101 : vector<16xi32>
        %jit3A_103 = arith.constant 1 : i32
        %jit3A_104 = arith.constant 0 : i32
        %broadcast_in_dim3A_105 = vector.broadcast %jit3A_103 : i32 to vector<16xi32>
        %broadcast_in_dim3A_106 = vector.broadcast %jit3A_104 : i32 to vector<16xi32>
        %select_n3A_107 = arith.select %eq3A_102, %broadcast_in_dim3A_105, %broadcast_in_dim3A_106 : vector<16xi1>, vector<16xi32>
        %broadcast_in_dim3A_108 = arith.constant true
        %broadcast_in_dim3A_109 = vector.broadcast %broadcast_in_dim3A_108 : i1 to vector<16xi1>
        %masked_cumsum3A_110 = tpu.scan <sum>, %select_n3A_107 masked %broadcast_in_dim3A_109 : vector<16xi32>, vector<16xi1> -> vector<16xi32>
        %sub3A_111 = arith.constant 1 : i32
        %sub3A_112 = vector.broadcast %sub3A_111 : i32 to vector<16xi32>
        %sub3A_113 = arith.subi %masked_cumsum3A_110, %sub3A_112 : vector<16xi32>
        %select_n3A_114 = arith.select %eq3A_102, %sub3A_113, %select_n3A_82 : vector<16xi1>, vector<16xi32>
        %eq3A_115 = arith.constant 2 : i32
        %eq3A_116 = vector.broadcast %eq3A_115 : i32 to vector<16xi32>
        %eq3A_117 = arith.cmpi eq, %iota3A, %eq3A_116 : vector<16xi32>
        %jit3A_118 = arith.constant 1 : i32
        %jit3A_119 = arith.constant 0 : i32
        %broadcast_in_dim3A_120 = vector.broadcast %jit3A_118 : i32 to vector<16xi32>
        %broadcast_in_dim3A_121 = vector.broadcast %jit3A_119 : i32 to vector<16xi32>
        %select_n3A_122 = arith.select %eq3A_102, %broadcast_in_dim3A_120, %broadcast_in_dim3A_121 : vector<16xi1>, vector<16xi32>
        %reduce_sum3A_123 = arith.constant true
        %reduce_sum3A_124 = vector.broadcast %reduce_sum3A_123 : i1 to vector<16xi1>
        %reduce_sum3A_125 = tpu.scan <sum>, %select_n3A_122 masked %reduce_sum3A_124 : vector<16xi32>, vector<16xi1> -> vector<16xi32>
        %reduce_sum3A_126 = vector.extract %reduce_sum3A_125[15] : i32 from vector<16xi32>
        %jit3A_127 = arith.constant 0 : i32
        %broadcast_in_dim3A_128 = vector.broadcast %reduce_sum3A_126 : i32 to vector<16xi32>
        %broadcast_in_dim3A_129 = vector.broadcast %jit3A_127 : i32 to vector<16xi32>
        %select_n3A_130 = arith.select %eq3A_117, %broadcast_in_dim3A_128, %broadcast_in_dim3A_129 : vector<16xi1>, vector<16xi32>
        %add3A_131 = arith.addi %add3A_99, %select_n3A_130 : vector<16xi32>
        %eq3A_132 = arith.constant 3 : i32
        %eq3A_133 = vector.broadcast %eq3A_132 : i32 to vector<16xi32>
        %eq3A_134 = arith.cmpi eq, %get3A_34, %eq3A_133 : vector<16xi32>
        %jit3A_135 = arith.constant 1 : i32
        %jit3A_136 = arith.constant 0 : i32
        %broadcast_in_dim3A_137 = vector.broadcast %jit3A_135 : i32 to vector<16xi32>
        %broadcast_in_dim3A_138 = vector.broadcast %jit3A_136 : i32 to vector<16xi32>
        %select_n3A_139 = arith.select %eq3A_134, %broadcast_in_dim3A_137, %broadcast_in_dim3A_138 : vector<16xi1>, vector<16xi32>
        %broadcast_in_dim3A_140 = arith.constant true
        %broadcast_in_dim3A_141 = vector.broadcast %broadcast_in_dim3A_140 : i1 to vector<16xi1>
        %masked_cumsum3A_142 = tpu.scan <sum>, %select_n3A_139 masked %broadcast_in_dim3A_141 : vector<16xi32>, vector<16xi1> -> vector<16xi32>
        %sub3A_143 = arith.constant 1 : i32
        %sub3A_144 = vector.broadcast %sub3A_143 : i32 to vector<16xi32>
        %sub3A_145 = arith.subi %masked_cumsum3A_142, %sub3A_144 : vector<16xi32>
        %select_n3A_146 = arith.select %eq3A_134, %sub3A_145, %select_n3A_114 : vector<16xi1>, vector<16xi32>
        %eq3A_147 = arith.constant 3 : i32
        %eq3A_148 = vector.broadcast %eq3A_147 : i32 to vector<16xi32>
        %eq3A_149 = arith.cmpi eq, %iota3A, %eq3A_148 : vector<16xi32>
        %jit3A_150 = arith.constant 1 : i32
        %jit3A_151 = arith.constant 0 : i32
        %broadcast_in_dim3A_152 = vector.broadcast %jit3A_150 : i32 to vector<16xi32>
        %broadcast_in_dim3A_153 = vector.broadcast %jit3A_151 : i32 to vector<16xi32>
        %select_n3A_154 = arith.select %eq3A_134, %broadcast_in_dim3A_152, %broadcast_in_dim3A_153 : vector<16xi1>, vector<16xi32>
        %reduce_sum3A_155 = arith.constant true
        %reduce_sum3A_156 = vector.broadcast %reduce_sum3A_155 : i1 to vector<16xi1>
        %reduce_sum3A_157 = tpu.scan <sum>, %select_n3A_154 masked %reduce_sum3A_156 : vector<16xi32>, vector<16xi1> -> vector<16xi32>
        %reduce_sum3A_158 = vector.extract %reduce_sum3A_157[15] : i32 from vector<16xi32>
        %jit3A_159 = arith.constant 0 : i32
        %broadcast_in_dim3A_160 = vector.broadcast %reduce_sum3A_158 : i32 to vector<16xi32>
        %broadcast_in_dim3A_161 = vector.broadcast %jit3A_159 : i32 to vector<16xi32>
        %select_n3A_162 = arith.select %eq3A_149, %broadcast_in_dim3A_160, %broadcast_in_dim3A_161 : vector<16xi1>, vector<16xi32>
        %add3A_163 = arith.addi %add3A_131, %select_n3A_162 : vector<16xi32>
        %eq3A_164 = arith.constant 4 : i32
        %eq3A_165 = vector.broadcast %eq3A_164 : i32 to vector<16xi32>
        %eq3A_166 = arith.cmpi eq, %get3A_34, %eq3A_165 : vector<16xi32>
        %jit3A_167 = arith.constant 1 : i32
        %jit3A_168 = arith.constant 0 : i32
        %broadcast_in_dim3A_169 = vector.broadcast %jit3A_167 : i32 to vector<16xi32>
        %broadcast_in_dim3A_170 = vector.broadcast %jit3A_168 : i32 to vector<16xi32>
        %select_n3A_171 = arith.select %eq3A_166, %broadcast_in_dim3A_169, %broadcast_in_dim3A_170 : vector<16xi1>, vector<16xi32>
        %broadcast_in_dim3A_172 = arith.constant true
        %broadcast_in_dim3A_173 = vector.broadcast %broadcast_in_dim3A_172 : i1 to vector<16xi1>
        %masked_cumsum3A_174 = tpu.scan <sum>, %select_n3A_171 masked %broadcast_in_dim3A_173 : vector<16xi32>, vector<16xi1> -> vector<16xi32>
        %sub3A_175 = arith.constant 1 : i32
        %sub3A_176 = vector.broadcast %sub3A_175 : i32 to vector<16xi32>
        %sub3A_177 = arith.subi %masked_cumsum3A_174, %sub3A_176 : vector<16xi32>
        %select_n3A_178 = arith.select %eq3A_166, %sub3A_177, %select_n3A_146 : vector<16xi1>, vector<16xi32>
        %eq3A_179 = arith.constant 4 : i32
        %eq3A_180 = vector.broadcast %eq3A_179 : i32 to vector<16xi32>
        %eq3A_181 = arith.cmpi eq, %iota3A, %eq3A_180 : vector<16xi32>
        %jit3A_182 = arith.constant 1 : i32
        %jit3A_183 = arith.constant 0 : i32
        %broadcast_in_dim3A_184 = vector.broadcast %jit3A_182 : i32 to vector<16xi32>
        %broadcast_in_dim3A_185 = vector.broadcast %jit3A_183 : i32 to vector<16xi32>
        %select_n3A_186 = arith.select %eq3A_166, %broadcast_in_dim3A_184, %broadcast_in_dim3A_185 : vector<16xi1>, vector<16xi32>
        %reduce_sum3A_187 = arith.constant true
        %reduce_sum3A_188 = vector.broadcast %reduce_sum3A_187 : i1 to vector<16xi1>
        %reduce_sum3A_189 = tpu.scan <sum>, %select_n3A_186 masked %reduce_sum3A_188 : vector<16xi32>, vector<16xi1> -> vector<16xi32>
        %reduce_sum3A_190 = vector.extract %reduce_sum3A_189[15] : i32 from vector<16xi32>
        %jit3A_191 = arith.constant 0 : i32
        %broadcast_in_dim3A_192 = vector.broadcast %reduce_sum3A_190 : i32 to vector<16xi32>
        %broadcast_in_dim3A_193 = vector.broadcast %jit3A_191 : i32 to vector<16xi32>
        %select_n3A_194 = arith.select %eq3A_181, %broadcast_in_dim3A_192, %broadcast_in_dim3A_193 : vector<16xi1>, vector<16xi32>
        %add3A_195 = arith.addi %add3A_163, %select_n3A_194 : vector<16xi32>
        %eq3A_196 = arith.constant 5 : i32
        %eq3A_197 = vector.broadcast %eq3A_196 : i32 to vector<16xi32>
        %eq3A_198 = arith.cmpi eq, %get3A_34, %eq3A_197 : vector<16xi32>
        %jit3A_199 = arith.constant 1 : i32
        %jit3A_200 = arith.constant 0 : i32
        %broadcast_in_dim3A_201 = vector.broadcast %jit3A_199 : i32 to vector<16xi32>
        %broadcast_in_dim3A_202 = vector.broadcast %jit3A_200 : i32 to vector<16xi32>
        %select_n3A_203 = arith.select %eq3A_198, %broadcast_in_dim3A_201, %broadcast_in_dim3A_202 : vector<16xi1>, vector<16xi32>
        %broadcast_in_dim3A_204 = arith.constant true
        %broadcast_in_dim3A_205 = vector.broadcast %broadcast_in_dim3A_204 : i1 to vector<16xi1>
        %masked_cumsum3A_206 = tpu.scan <sum>, %select_n3A_203 masked %broadcast_in_dim3A_205 : vector<16xi32>, vector<16xi1> -> vector<16xi32>
        %sub3A_207 = arith.constant 1 : i32
        %sub3A_208 = vector.broadcast %sub3A_207 : i32 to vector<16xi32>
        %sub3A_209 = arith.subi %masked_cumsum3A_206, %sub3A_208 : vector<16xi32>
        %select_n3A_210 = arith.select %eq3A_198, %sub3A_209, %select_n3A_178 : vector<16xi1>, vector<16xi32>
        %eq3A_211 = arith.constant 5 : i32
        %eq3A_212 = vector.broadcast %eq3A_211 : i32 to vector<16xi32>
        %eq3A_213 = arith.cmpi eq, %iota3A, %eq3A_212 : vector<16xi32>
        %jit3A_214 = arith.constant 1 : i32
        %jit3A_215 = arith.constant 0 : i32
        %broadcast_in_dim3A_216 = vector.broadcast %jit3A_214 : i32 to vector<16xi32>
        %broadcast_in_dim3A_217 = vector.broadcast %jit3A_215 : i32 to vector<16xi32>
        %select_n3A_218 = arith.select %eq3A_198, %broadcast_in_dim3A_216, %broadcast_in_dim3A_217 : vector<16xi1>, vector<16xi32>
        %reduce_sum3A_219 = arith.constant true
        %reduce_sum3A_220 = vector.broadcast %reduce_sum3A_219 : i1 to vector<16xi1>
        %reduce_sum3A_221 = tpu.scan <sum>, %select_n3A_218 masked %reduce_sum3A_220 : vector<16xi32>, vector<16xi1> -> vector<16xi32>
        %reduce_sum3A_222 = vector.extract %reduce_sum3A_221[15] : i32 from vector<16xi32>
        %jit3A_223 = arith.constant 0 : i32
        %broadcast_in_dim3A_224 = vector.broadcast %reduce_sum3A_222 : i32 to vector<16xi32>
        %broadcast_in_dim3A_225 = vector.broadcast %jit3A_223 : i32 to vector<16xi32>
        %select_n3A_226 = arith.select %eq3A_213, %broadcast_in_dim3A_224, %broadcast_in_dim3A_225 : vector<16xi1>, vector<16xi32>
        %add3A_227 = arith.addi %add3A_195, %select_n3A_226 : vector<16xi32>
        %eq3A_228 = arith.constant 6 : i32
        %eq3A_229 = vector.broadcast %eq3A_228 : i32 to vector<16xi32>
        %eq3A_230 = arith.cmpi eq, %get3A_34, %eq3A_229 : vector<16xi32>
        %jit3A_231 = arith.constant 1 : i32
        %jit3A_232 = arith.constant 0 : i32
        %broadcast_in_dim3A_233 = vector.broadcast %jit3A_231 : i32 to vector<16xi32>
        %broadcast_in_dim3A_234 = vector.broadcast %jit3A_232 : i32 to vector<16xi32>
        %select_n3A_235 = arith.select %eq3A_230, %broadcast_in_dim3A_233, %broadcast_in_dim3A_234 : vector<16xi1>, vector<16xi32>
        %broadcast_in_dim3A_236 = arith.constant true
        %broadcast_in_dim3A_237 = vector.broadcast %broadcast_in_dim3A_236 : i1 to vector<16xi1>
        %masked_cumsum3A_238 = tpu.scan <sum>, %select_n3A_235 masked %broadcast_in_dim3A_237 : vector<16xi32>, vector<16xi1> -> vector<16xi32>
        %sub3A_239 = arith.constant 1 : i32
        %sub3A_240 = vector.broadcast %sub3A_239 : i32 to vector<16xi32>
        %sub3A_241 = arith.subi %masked_cumsum3A_238, %sub3A_240 : vector<16xi32>
        %select_n3A_242 = arith.select %eq3A_230, %sub3A_241, %select_n3A_210 : vector<16xi1>, vector<16xi32>
        %eq3A_243 = arith.constant 6 : i32
        %eq3A_244 = vector.broadcast %eq3A_243 : i32 to vector<16xi32>
        %eq3A_245 = arith.cmpi eq, %iota3A, %eq3A_244 : vector<16xi32>
        %jit3A_246 = arith.constant 1 : i32
        %jit3A_247 = arith.constant 0 : i32
        %broadcast_in_dim3A_248 = vector.broadcast %jit3A_246 : i32 to vector<16xi32>
        %broadcast_in_dim3A_249 = vector.broadcast %jit3A_247 : i32 to vector<16xi32>
        %select_n3A_250 = arith.select %eq3A_230, %broadcast_in_dim3A_248, %broadcast_in_dim3A_249 : vector<16xi1>, vector<16xi32>
        %reduce_sum3A_251 = arith.constant true
        %reduce_sum3A_252 = vector.broadcast %reduce_sum3A_251 : i1 to vector<16xi1>
        %reduce_sum3A_253 = tpu.scan <sum>, %select_n3A_250 masked %reduce_sum3A_252 : vector<16xi32>, vector<16xi1> -> vector<16xi32>
        %reduce_sum3A_254 = vector.extract %reduce_sum3A_253[15] : i32 from vector<16xi32>
        %jit3A_255 = arith.constant 0 : i32
        %broadcast_in_dim3A_256 = vector.broadcast %reduce_sum3A_254 : i32 to vector<16xi32>
        %broadcast_in_dim3A_257 = vector.broadcast %jit3A_255 : i32 to vector<16xi32>
        %select_n3A_258 = arith.select %eq3A_245, %broadcast_in_dim3A_256, %broadcast_in_dim3A_257 : vector<16xi1>, vector<16xi32>
        %add3A_259 = arith.addi %add3A_227, %select_n3A_258 : vector<16xi32>
        %eq3A_260 = arith.constant 7 : i32
        %eq3A_261 = vector.broadcast %eq3A_260 : i32 to vector<16xi32>
        %eq3A_262 = arith.cmpi eq, %get3A_34, %eq3A_261 : vector<16xi32>
        %jit3A_263 = arith.constant 1 : i32
        %jit3A_264 = arith.constant 0 : i32
        %broadcast_in_dim3A_265 = vector.broadcast %jit3A_263 : i32 to vector<16xi32>
        %broadcast_in_dim3A_266 = vector.broadcast %jit3A_264 : i32 to vector<16xi32>
        %select_n3A_267 = arith.select %eq3A_262, %broadcast_in_dim3A_265, %broadcast_in_dim3A_266 : vector<16xi1>, vector<16xi32>
        %broadcast_in_dim3A_268 = arith.constant true
        %broadcast_in_dim3A_269 = vector.broadcast %broadcast_in_dim3A_268 : i1 to vector<16xi1>
        %masked_cumsum3A_270 = tpu.scan <sum>, %select_n3A_267 masked %broadcast_in_dim3A_269 : vector<16xi32>, vector<16xi1> -> vector<16xi32>
        %sub3A_271 = arith.constant 1 : i32
        %sub3A_272 = vector.broadcast %sub3A_271 : i32 to vector<16xi32>
        %sub3A_273 = arith.subi %masked_cumsum3A_270, %sub3A_272 : vector<16xi32>
        %select_n3A_274 = arith.select %eq3A_262, %sub3A_273, %select_n3A_242 : vector<16xi1>, vector<16xi32>
        %eq3A_275 = arith.constant 7 : i32
        %eq3A_276 = vector.broadcast %eq3A_275 : i32 to vector<16xi32>
        %eq3A_277 = arith.cmpi eq, %iota3A, %eq3A_276 : vector<16xi32>
        %jit3A_278 = arith.constant 1 : i32
        %jit3A_279 = arith.constant 0 : i32
        %broadcast_in_dim3A_280 = vector.broadcast %jit3A_278 : i32 to vector<16xi32>
        %broadcast_in_dim3A_281 = vector.broadcast %jit3A_279 : i32 to vector<16xi32>
        %select_n3A_282 = arith.select %eq3A_262, %broadcast_in_dim3A_280, %broadcast_in_dim3A_281 : vector<16xi1>, vector<16xi32>
        %reduce_sum3A_283 = arith.constant true
        %reduce_sum3A_284 = vector.broadcast %reduce_sum3A_283 : i1 to vector<16xi1>
        %reduce_sum3A_285 = tpu.scan <sum>, %select_n3A_282 masked %reduce_sum3A_284 : vector<16xi32>, vector<16xi1> -> vector<16xi32>
        %reduce_sum3A_286 = vector.extract %reduce_sum3A_285[15] : i32 from vector<16xi32>
        %jit3A_287 = arith.constant 0 : i32
        %broadcast_in_dim3A_288 = vector.broadcast %reduce_sum3A_286 : i32 to vector<16xi32>
        %broadcast_in_dim3A_289 = vector.broadcast %jit3A_287 : i32 to vector<16xi32>
        %select_n3A_290 = arith.select %eq3A_277, %broadcast_in_dim3A_288, %broadcast_in_dim3A_289 : vector<16xi1>, vector<16xi32>
        %add3A_291 = arith.addi %add3A_259, %select_n3A_290 : vector<16xi32>
        %swap3A_292 = arith.constant 0 : index
        %swap3A_293 = tpu.vector_load %arg8[%swap3A_292] {strides = array<i32>} : memref<16xi32, #tpu.memory_space<vmem>>, vector<16xi32>,
        tpu.vector_store %arg8[%swap3A_292], %add3A_291 {strides = array<i32>} : memref<16xi32, #tpu.memory_space<vmem>>, vector<16xi32>,
        %add3A_294 = arith.addi %gather3A, %select_n3A_274 : vector<16xi32>
        %mul3A_295 = arith.constant 16 : i32
        %mul3A_296 = arith.muli %scan3A_31, %mul3A_295 : i32
        %swap3A_297 = arith.index_cast %mul3A_296 : i32 to index
        %swap3A_298 = tpu.vector_load %arg6[%swap3A_297] {strides = array<i32>} : memref<4096xi32, #tpu.memory_space<vmem>>, vector<16xi32>,
        tpu.vector_store %arg6[%swap3A_297], %add3A_294 {strides = array<i32>} : memref<4096xi32, #tpu.memory_space<vmem>>, vector<16xi32>,
        %shift_right_arithmetic3A = arith.constant 7 : i32
        %shift_right_arithmetic3A_299 = vector.broadcast %shift_right_arithmetic3A : i32 to vector<16xi32>
        %shift_right_arithmetic3A_300 = arith.shrsi %add3A_294, %shift_right_arithmetic3A_299 : vector<16xi32>
        tpu.vector_store_idx %arg7[%shift_right_arithmetic3A_300], %get3A_34 : memref<48xi32, #tpu.memory_space<vmem>>[vector<16xi32>], vector<16xi32>,
        %scan3A_301 = arith.constant 0 : i32
        scf.yield %scan3A_301 : i32
      }
      %scan3A_30 = arith.constant 256 : i32
      "tpu.region"() ({
        %run_scoped3A = tpu.sem_alloc : memref<!tpu.dma_semaphore, #tpu.memory_space<semaphore_mem>>
        tpu.enqueue_dma source(%arg6 : memref<4096xi32, #tpu.memory_space<vmem>>) target(%arg3 : memref<4096xi32, #tpu.memory_space<hbm>>) target_semaphore(%run_scoped3A : memref<!tpu.dma_semaphore, #tpu.memory_space<semaphore_mem>>)
        tpu.wait_dma2 semaphore(%run_scoped3A : memref<!tpu.dma_semaphore, #tpu.memory_space<semaphore_mem>>) src(%arg6 : memref<4096xi32, #tpu.memory_space<vmem>>) dst(%arg3 : memref<4096xi32, #tpu.memory_space<hbm>>)
        tpu.yield
      }) : () -> ()
      "tpu.region"() ({
        %run_scoped3A = tpu.sem_alloc : memref<!tpu.dma_semaphore, #tpu.memory_space<semaphore_mem>>
        tpu.enqueue_dma source(%arg7 : memref<48xi32, #tpu.memory_space<vmem>>) target(%arg4 : memref<48xi32, #tpu.memory_space<hbm>>) target_semaphore(%run_scoped3A : memref<!tpu.dma_semaphore, #tpu.memory_space<semaphore_mem>>)
        tpu.wait_dma2 semaphore(%run_scoped3A : memref<!tpu.dma_semaphore, #tpu.memory_space<semaphore_mem>>) src(%arg7 : memref<48xi32, #tpu.memory_space<vmem>>) dst(%arg4 : memref<48xi32, #tpu.memory_space<hbm>>)
        tpu.yield
      }) : () -> ()
    } else {
    }
    return
  }
}

#map = affine_map<(d0, d1) -> (0, 0)>
#map1 = affine_map<(d0, d1) -> (0)>
module attributes {stable_mosaic.version = 14 : i64} {
  func.func @_scatter_body(%arg0: i32, %arg1: i32, %arg2: memref<2048x512xi32, #tpu.memory_space<hbm>>, %arg3: memref<4096xi32, #tpu.memory_space<hbm>>, %arg4: memref<5120x512xi32, #tpu.memory_space<hbm>>, %arg5: memref<128xi32, #tpu.memory_space<vmem>>, %arg6: memref<64xi32, #tpu.memory_space<vmem>>, %arg7: memref<64xi32, #tpu.memory_space<vmem>>, %arg8: memref<64x512xi32, #tpu.memory_space<vmem>>, %arg9: memref<!tpu.dma_semaphore, #tpu.memory_space<semaphore_mem>>) attributes {dimension_semantics = [#tpu.dimension_semantics<core_parallel>, #tpu.dimension_semantics<subcore_parallel>], iteration_bounds = array<i64: 2, 16>, scalar_prefetch = 0 : i64, scratch_operands = 5 : i64, tpu.core_type = #tpu.core_type<sc_vector_subcore>, window_params = [{transform_indices = #map}, {transform_indices = #map1}, {transform_indices = #map}]} {
    %mul3A = arith.constant 2 : i32
    %mul3A_0 = arith.muli %arg1, %mul3A : i32
    %add3A = arith.addi %mul3A_0, %arg0 : i32
    %mul3A_1 = arith.constant 64 : i32
    %mul3A_2 = arith.muli %add3A, %mul3A_1 : i32
    "tpu.region"() ({
      %run_scoped3A = tpu.sem_alloc : memref<!tpu.dma_semaphore, #tpu.memory_space<semaphore_mem>>
      %dma_start3A_85 = arith.constant 0 : i32
      %dma_start3A_86 = tpu.memref_slice %arg2[%mul3A_2, %dma_start3A_85] : memref<2048x512xi32, #tpu.memory_space<hbm>> -> memref<64x512xi32, #tpu.memory_space<hbm>>
      %dma_start3A_87 = arith.constant 0 : i32
      %dma_start3A_88 = tpu.memref_slice %arg2[%mul3A_2, %dma_start3A_87] : memref<2048x512xi32, #tpu.memory_space<hbm>> -> memref<64x512xi32, #tpu.memory_space<hbm>>
      tpu.enqueue_dma source(%dma_start3A_88 : memref<64x512xi32, #tpu.memory_space<hbm>>) target(%arg8 : memref<64x512xi32, #tpu.memory_space<vmem>>) target_semaphore(%run_scoped3A : memref<!tpu.dma_semaphore, #tpu.memory_space<semaphore_mem>>)
      %dma_wait3A_89 = arith.constant 0 : i32
      %dma_wait3A_90 = tpu.memref_slice %arg2[%mul3A_2, %dma_wait3A_89] : memref<2048x512xi32, #tpu.memory_space<hbm>> -> memref<64x512xi32, #tpu.memory_space<hbm>>
      %dma_wait3A_91 = arith.constant 0 : i32
      %dma_wait3A_92 = tpu.memref_slice %arg2[%mul3A_2, %dma_wait3A_91] : memref<2048x512xi32, #tpu.memory_space<hbm>> -> memref<64x512xi32, #tpu.memory_space<hbm>>
      tpu.wait_dma2 semaphore(%run_scoped3A : memref<!tpu.dma_semaphore, #tpu.memory_space<semaphore_mem>>) src(%dma_wait3A_92 : memref<64x512xi32, #tpu.memory_space<hbm>>) dst(%arg8 : memref<64x512xi32, #tpu.memory_space<vmem>>)
      tpu.yield
    }) : () -> ()
    %mul3A_3 = arith.constant 2 : i32
    %mul3A_4 = arith.muli %mul3A_3, %mul3A_2 : i32
    "tpu.region"() ({
      %run_scoped3A = tpu.sem_alloc : memref<!tpu.dma_semaphore, #tpu.memory_space<semaphore_mem>>
      %dma_start3A_85 = tpu.memref_slice %arg3[%mul3A_4] : memref<4096xi32, #tpu.memory_space<hbm>> -> memref<128xi32, #tpu.memory_space<hbm>>
      %dma_start3A_86 = tpu.memref_slice %arg3[%mul3A_4] : memref<4096xi32, #tpu.memory_space<hbm>> -> memref<128xi32, #tpu.memory_space<hbm>>
      tpu.enqueue_dma source(%dma_start3A_86 : memref<128xi32, #tpu.memory_space<hbm>>) target(%arg5 : memref<128xi32, #tpu.memory_space<vmem>>) target_semaphore(%run_scoped3A : memref<!tpu.dma_semaphore, #tpu.memory_space<semaphore_mem>>)
      %dma_wait3A_87 = tpu.memref_slice %arg3[%mul3A_4] : memref<4096xi32, #tpu.memory_space<hbm>> -> memref<128xi32, #tpu.memory_space<hbm>>
      %dma_wait3A_88 = tpu.memref_slice %arg3[%mul3A_4] : memref<4096xi32, #tpu.memory_space<hbm>> -> memref<128xi32, #tpu.memory_space<hbm>>
      tpu.wait_dma2 semaphore(%run_scoped3A : memref<!tpu.dma_semaphore, #tpu.memory_space<semaphore_mem>>) src(%dma_wait3A_88 : memref<128xi32, #tpu.memory_space<hbm>>) dst(%arg5 : memref<128xi32, #tpu.memory_space<vmem>>)
      tpu.yield
    }) : () -> ()
    %iota3A = tpu.iota {dimensions = array<i32: 0>} : vector<16xi32>
    %add3A_5 = arith.constant 0 : i32
    %add3A_6 = vector.broadcast %add3A_5 : i32 to vector<16xi32>
    %add3A_7 = arith.addi %iota3A, %add3A_6 : vector<16xi32>
    %mul3A_8 = arith.constant 2 : i32
    %mul3A_9 = vector.broadcast %mul3A_8 : i32 to vector<16xi32>
    %mul3A_10 = arith.muli %mul3A_9, %add3A_7 : vector<16xi32>
    %gather3A = tpu.vector_load_idx %arg5[%mul3A_10] : memref<128xi32, #tpu.memory_space<vmem>>[vector<16xi32>], vector<16xi32>,
    %swap3A = arith.constant 0 : index
    %swap3A_11 = tpu.vector_load %arg6[%swap3A] {strides = array<i32>} : memref<64xi32, #tpu.memory_space<vmem>>, vector<16xi32>,
    tpu.vector_store %arg6[%swap3A], %gather3A {strides = array<i32>} : memref<64xi32, #tpu.memory_space<vmem>>, vector<16xi32>,
    %mul3A_12 = arith.constant 2 : i32
    %mul3A_13 = vector.broadcast %mul3A_12 : i32 to vector<16xi32>
    %mul3A_14 = arith.muli %mul3A_13, %add3A_7 : vector<16xi32>
    %add3A_15 = arith.constant 1 : i32
    %add3A_16 = vector.broadcast %add3A_15 : i32 to vector<16xi32>
    %add3A_17 = arith.addi %mul3A_14, %add3A_16 : vector<16xi32>
    %gather3A_18 = tpu.vector_load_idx %arg5[%add3A_17] : memref<128xi32, #tpu.memory_space<vmem>>[vector<16xi32>], vector<16xi32>,
    %swap3A_19 = arith.constant 0 : index
    %swap3A_20 = tpu.vector_load %arg7[%swap3A_19] {strides = array<i32>} : memref<64xi32, #tpu.memory_space<vmem>>, vector<16xi32>,
    tpu.vector_store %arg7[%swap3A_19], %gather3A_18 {strides = array<i32>} : memref<64xi32, #tpu.memory_space<vmem>>, vector<16xi32>,
    %add3A_21 = arith.constant 16 : i32
    %add3A_22 = vector.broadcast %add3A_21 : i32 to vector<16xi32>
    %add3A_23 = arith.addi %iota3A, %add3A_22 : vector<16xi32>
    %mul3A_24 = arith.constant 2 : i32
    %mul3A_25 = vector.broadcast %mul3A_24 : i32 to vector<16xi32>
    %mul3A_26 = arith.muli %mul3A_25, %add3A_23 : vector<16xi32>
    %gather3A_27 = tpu.vector_load_idx %arg5[%mul3A_26] : memref<128xi32, #tpu.memory_space<vmem>>[vector<16xi32>], vector<16xi32>,
    %swap3A_28 = arith.constant 16 : index
    %swap3A_29 = tpu.vector_load %arg6[%swap3A_28] {strides = array<i32>} : memref<64xi32, #tpu.memory_space<vmem>>, vector<16xi32>,
    tpu.vector_store %arg6[%swap3A_28], %gather3A_27 {strides = array<i32>} : memref<64xi32, #tpu.memory_space<vmem>>, vector<16xi32>,
    %mul3A_30 = arith.constant 2 : i32
    %mul3A_31 = vector.broadcast %mul3A_30 : i32 to vector<16xi32>
    %mul3A_32 = arith.muli %mul3A_31, %add3A_23 : vector<16xi32>
    %add3A_33 = arith.constant 1 : i32
    %add3A_34 = vector.broadcast %add3A_33 : i32 to vector<16xi32>
    %add3A_35 = arith.addi %mul3A_32, %add3A_34 : vector<16xi32>
    %gather3A_36 = tpu.vector_load_idx %arg5[%add3A_35] : memref<128xi32, #tpu.memory_space<vmem>>[vector<16xi32>], vector<16xi32>,
    %swap3A_37 = arith.constant 16 : index
    %swap3A_38 = tpu.vector_load %arg7[%swap3A_37] {strides = array<i32>} : memref<64xi32, #tpu.memory_space<vmem>>, vector<16xi32>,
    tpu.vector_store %arg7[%swap3A_37], %gather3A_36 {strides = array<i32>} : memref<64xi32, #tpu.memory_space<vmem>>, vector<16xi32>,
    %add3A_39 = arith.constant 32 : i32
    %add3A_40 = vector.broadcast %add3A_39 : i32 to vector<16xi32>
    %add3A_41 = arith.addi %iota3A, %add3A_40 : vector<16xi32>
    %mul3A_42 = arith.constant 2 : i32
    %mul3A_43 = vector.broadcast %mul3A_42 : i32 to vector<16xi32>
    %mul3A_44 = arith.muli %mul3A_43, %add3A_41 : vector<16xi32>
    %gather3A_45 = tpu.vector_load_idx %arg5[%mul3A_44] : memref<128xi32, #tpu.memory_space<vmem>>[vector<16xi32>], vector<16xi32>,
    %swap3A_46 = arith.constant 32 : index
    %swap3A_47 = tpu.vector_load %arg6[%swap3A_46] {strides = array<i32>} : memref<64xi32, #tpu.memory_space<vmem>>, vector<16xi32>,
    tpu.vector_store %arg6[%swap3A_46], %gather3A_45 {strides = array<i32>} : memref<64xi32, #tpu.memory_space<vmem>>, vector<16xi32>,
    %mul3A_48 = arith.constant 2 : i32
    %mul3A_49 = vector.broadcast %mul3A_48 : i32 to vector<16xi32>
    %mul3A_50 = arith.muli %mul3A_49, %add3A_41 : vector<16xi32>
    %add3A_51 = arith.constant 1 : i32
    %add3A_52 = vector.broadcast %add3A_51 : i32 to vector<16xi32>
    %add3A_53 = arith.addi %mul3A_50, %add3A_52 : vector<16xi32>
    %gather3A_54 = tpu.vector_load_idx %arg5[%add3A_53] : memref<128xi32, #tpu.memory_space<vmem>>[vector<16xi32>], vector<16xi32>,
    %swap3A_55 = arith.constant 32 : index
    %swap3A_56 = tpu.vector_load %arg7[%swap3A_55] {strides = array<i32>} : memref<64xi32, #tpu.memory_space<vmem>>, vector<16xi32>,
    tpu.vector_store %arg7[%swap3A_55], %gather3A_54 {strides = array<i32>} : memref<64xi32, #tpu.memory_space<vmem>>, vector<16xi32>,
    %add3A_57 = arith.constant 48 : i32
    %add3A_58 = vector.broadcast %add3A_57 : i32 to vector<16xi32>
    %add3A_59 = arith.addi %iota3A, %add3A_58 : vector<16xi32>
    %mul3A_60 = arith.constant 2 : i32
    %mul3A_61 = vector.broadcast %mul3A_60 : i32 to vector<16xi32>
    %mul3A_62 = arith.muli %mul3A_61, %add3A_59 : vector<16xi32>
    %gather3A_63 = tpu.vector_load_idx %arg5[%mul3A_62] : memref<128xi32, #tpu.memory_space<vmem>>[vector<16xi32>], vector<16xi32>,
    %swap3A_64 = arith.constant 48 : index
    %swap3A_65 = tpu.vector_load %arg6[%swap3A_64] {strides = array<i32>} : memref<64xi32, #tpu.memory_space<vmem>>, vector<16xi32>,
    tpu.vector_store %arg6[%swap3A_64], %gather3A_63 {strides = array<i32>} : memref<64xi32, #tpu.memory_space<vmem>>, vector<16xi32>,
    %mul3A_66 = arith.constant 2 : i32
    %mul3A_67 = vector.broadcast %mul3A_66 : i32 to vector<16xi32>
    %mul3A_68 = arith.muli %mul3A_67, %add3A_59 : vector<16xi32>
    %add3A_69 = arith.constant 1 : i32
    %add3A_70 = vector.broadcast %add3A_69 : i32 to vector<16xi32>
    %add3A_71 = arith.addi %mul3A_68, %add3A_70 : vector<16xi32>
    %gather3A_72 = tpu.vector_load_idx %arg5[%add3A_71] : memref<128xi32, #tpu.memory_space<vmem>>[vector<16xi32>], vector<16xi32>,
    %swap3A_73 = arith.constant 48 : index
    %swap3A_74 = tpu.vector_load %arg7[%swap3A_73] {strides = array<i32>} : memref<64xi32, #tpu.memory_space<vmem>>, vector<16xi32>,
    tpu.vector_store %arg7[%swap3A_73], %gather3A_72 {strides = array<i32>} : memref<64xi32, #tpu.memory_space<vmem>>, vector<16xi32>,
    %dma_start3A = arith.constant 0 : i32
    %dma_start3A_75 = arith.constant 0 : i32
    %dma_start3A_76 = tpu.memref_slice %arg4[%dma_start3A, %dma_start3A_75] : memref<5120x512xi32, #tpu.memory_space<hbm>> -> memref<5120x512xi32, #tpu.memory_space<hbm>>
    tpu.enqueue_indirect_dma source(%arg8 : memref<64x512xi32, #tpu.memory_space<vmem>>) target(%dma_start3A_76 : memref<5120x512xi32, #tpu.memory_space<hbm>>) offsets(%arg6 : memref<64xi32, #tpu.memory_space<vmem>>) semaphore(%arg9 : memref<!tpu.dma_semaphore, #tpu.memory_space<semaphore_mem>>)
    %dma_start3A_77 = arith.constant 0 : i32
    %dma_start3A_78 = arith.constant 0 : i32
    %dma_start3A_79 = tpu.memref_slice %arg4[%dma_start3A_77, %dma_start3A_78] : memref<5120x512xi32, #tpu.memory_space<hbm>> -> memref<5120x512xi32, #tpu.memory_space<hbm>>
    tpu.enqueue_indirect_dma source(%arg8 : memref<64x512xi32, #tpu.memory_space<vmem>>) target(%dma_start3A_79 : memref<5120x512xi32, #tpu.memory_space<hbm>>) offsets(%arg7 : memref<64xi32, #tpu.memory_space<vmem>>) semaphore(%arg9 : memref<!tpu.dma_semaphore, #tpu.memory_space<semaphore_mem>>)
    %dma_wait3A = arith.constant 0 : i32
    %dma_wait3A_80 = arith.constant 0 : i32
    %dma_wait3A_81 = tpu.memref_slice %arg4[%dma_wait3A, %dma_wait3A_80] : memref<5120x512xi32, #tpu.memory_space<hbm>> -> memref<5120x512xi32, #tpu.memory_space<hbm>>
    tpu.wait_indirect_dma semaphore(%arg9 : memref<!tpu.dma_semaphore, #tpu.memory_space<semaphore_mem>>) src(%arg8 : memref<64x512xi32, #tpu.memory_space<vmem>>) dst(%dma_wait3A_81 : memref<5120x512xi32, #tpu.memory_space<hbm>>)
    %dma_wait3A_82 = arith.constant 0 : i32
    %dma_wait3A_83 = arith.constant 0 : i32
    %dma_wait3A_84 = tpu.memref_slice %arg4[%dma_wait3A_82, %dma_wait3A_83] : memref<5120x512xi32, #tpu.memory_space<hbm>> -> memref<5120x512xi32, #tpu.memory_space<hbm>>
    tpu.wait_indirect_dma semaphore(%arg9 : memref<!tpu.dma_semaphore, #tpu.memory_space<semaphore_mem>>) src(%arg8 : memref<64x512xi32, #tpu.memory_space<vmem>>) dst(%dma_wait3A_84 : memref<5120x512xi32, #tpu.memory_space<hbm>>)
    return
  }
}

#map = affine_map<(d0, d1) -> (0, 0)>
#map1 = affine_map<(d0, d1) -> (0)>
module attributes {stable_mosaic.version = 14 : i64} {
  func.func @_combine_body(%arg0: i32, %arg1: i32, %arg2: memref<5120x1024xf32, #tpu.memory_space<hbm>>, %arg3: memref<4096xi32, #tpu.memory_space<hbm>>, %arg4: memref<4096xf32, #tpu.memory_space<hbm>>, %arg5: memref<2048x1024xf32, #tpu.memory_space<hbm>>, %arg6: memref<64xi32, #tpu.memory_space<vmem>>, %arg7: memref<64xf32, #tpu.memory_space<vmem>>, %arg8: memref<64x1024xf32, #tpu.memory_space<vmem>>, %arg9: memref<32x1024xf32, #tpu.memory_space<vmem>>, %arg10: memref<!tpu.dma_semaphore, #tpu.memory_space<semaphore_mem>>) attributes {dimension_semantics = [#tpu.dimension_semantics<core_parallel>, #tpu.dimension_semantics<subcore_parallel>], iteration_bounds = array<i64: 2, 16>, scalar_prefetch = 0 : i64, scratch_operands = 5 : i64, tpu.core_type = #tpu.core_type<sc_vector_subcore>, window_params = [{transform_indices = #map}, {transform_indices = #map1}, {transform_indices = #map1}, {transform_indices = #map}]} {
    %mul3A = arith.constant 2 : i32
    %mul3A_0 = arith.muli %arg1, %mul3A : i32
    %add3A = arith.addi %mul3A_0, %arg0 : i32
    %mul3A_1 = arith.constant 64 : i32
    %mul3A_2 = arith.muli %add3A, %mul3A_1 : i32
    %add3A_3 = arith.constant 0 : i32
    %add3A_4 = arith.addi %mul3A_2, %add3A_3 : i32
    %mul3A_5 = arith.constant 2 : i32
    %mul3A_6 = arith.muli %mul3A_5, %add3A_4 : i32
    "tpu.region"() ({
      %run_scoped3A = tpu.sem_alloc : memref<!tpu.dma_semaphore, #tpu.memory_space<semaphore_mem>>
      %dma_start3A_40 = tpu.memref_slice %arg3[%mul3A_6] : memref<4096xi32, #tpu.memory_space<hbm>> -> memref<64xi32, #tpu.memory_space<hbm>>
      %dma_start3A_41 = tpu.memref_slice %arg3[%mul3A_6] : memref<4096xi32, #tpu.memory_space<hbm>> -> memref<64xi32, #tpu.memory_space<hbm>>
      tpu.enqueue_dma source(%dma_start3A_41 : memref<64xi32, #tpu.memory_space<hbm>>) target(%arg6 : memref<64xi32, #tpu.memory_space<vmem>>) target_semaphore(%run_scoped3A : memref<!tpu.dma_semaphore, #tpu.memory_space<semaphore_mem>>)
      %dma_wait3A_42 = tpu.memref_slice %arg3[%mul3A_6] : memref<4096xi32, #tpu.memory_space<hbm>> -> memref<64xi32, #tpu.memory_space<hbm>>
      %dma_wait3A_43 = tpu.memref_slice %arg3[%mul3A_6] : memref<4096xi32, #tpu.memory_space<hbm>> -> memref<64xi32, #tpu.memory_space<hbm>>
      tpu.wait_dma2 semaphore(%run_scoped3A : memref<!tpu.dma_semaphore, #tpu.memory_space<semaphore_mem>>) src(%dma_wait3A_43 : memref<64xi32, #tpu.memory_space<hbm>>) dst(%arg6 : memref<64xi32, #tpu.memory_space<vmem>>)
      tpu.yield
    }) : () -> ()
    %mul3A_7 = arith.constant 2 : i32
    %mul3A_8 = arith.muli %mul3A_7, %add3A_4 : i32
    "tpu.region"() ({
      %run_scoped3A = tpu.sem_alloc : memref<!tpu.dma_semaphore, #tpu.memory_space<semaphore_mem>>
      %dma_start3A_40 = tpu.memref_slice %arg4[%mul3A_8] : memref<4096xf32, #tpu.memory_space<hbm>> -> memref<64xf32, #tpu.memory_space<hbm>>
      %dma_start3A_41 = tpu.memref_slice %arg4[%mul3A_8] : memref<4096xf32, #tpu.memory_space<hbm>> -> memref<64xf32, #tpu.memory_space<hbm>>
      tpu.enqueue_dma source(%dma_start3A_41 : memref<64xf32, #tpu.memory_space<hbm>>) target(%arg7 : memref<64xf32, #tpu.memory_space<vmem>>) target_semaphore(%run_scoped3A : memref<!tpu.dma_semaphore, #tpu.memory_space<semaphore_mem>>)
      %dma_wait3A_42 = tpu.memref_slice %arg4[%mul3A_8] : memref<4096xf32, #tpu.memory_space<hbm>> -> memref<64xf32, #tpu.memory_space<hbm>>
      %dma_wait3A_43 = tpu.memref_slice %arg4[%mul3A_8] : memref<4096xf32, #tpu.memory_space<hbm>> -> memref<64xf32, #tpu.memory_space<hbm>>
      tpu.wait_dma2 semaphore(%run_scoped3A : memref<!tpu.dma_semaphore, #tpu.memory_space<semaphore_mem>>) src(%dma_wait3A_43 : memref<64xf32, #tpu.memory_space<hbm>>) dst(%arg7 : memref<64xf32, #tpu.memory_space<vmem>>)
      tpu.yield
    }) : () -> ()
    %dma_start3A = arith.constant 0 : i32
    %dma_start3A_9 = arith.constant 0 : i32
    %dma_start3A_10 = tpu.memref_slice %arg2[%dma_start3A, %dma_start3A_9] : memref<5120x1024xf32, #tpu.memory_space<hbm>> -> memref<5120x1024xf32, #tpu.memory_space<hbm>>
    tpu.enqueue_indirect_dma source(%dma_start3A_10 : memref<5120x1024xf32, #tpu.memory_space<hbm>>) target(%arg8 : memref<64x1024xf32, #tpu.memory_space<vmem>>) offsets(%arg6 : memref<64xi32, #tpu.memory_space<vmem>>) semaphore(%arg10 : memref<!tpu.dma_semaphore, #tpu.memory_space<semaphore_mem>>)
    %dma_wait3A = arith.constant 0 : i32
    %dma_wait3A_11 = arith.constant 0 : i32
    %dma_wait3A_12 = tpu.memref_slice %arg2[%dma_wait3A, %dma_wait3A_11] : memref<5120x1024xf32, #tpu.memory_space<hbm>> -> memref<5120x1024xf32, #tpu.memory_space<hbm>>
    tpu.wait_indirect_dma semaphore(%arg10 : memref<!tpu.dma_semaphore, #tpu.memory_space<semaphore_mem>>) src(%dma_wait3A_12 : memref<5120x1024xf32, #tpu.memory_space<hbm>>) dst(%arg8 : memref<64x1024xf32, #tpu.memory_space<vmem>>)
    %scan3A = arith.constant 0 : i32
    %scan3A_13 = arith.constant 0 : i32
    %scan3A_14 = arith.constant 32 : i32
    %scan3A_15 = arith.addi %scan3A_13, %scan3A_14 : i32
    %scan3A_16 = arith.constant 1 : i32
    %scan3A_17 = scf.for %scan3A_40 = %scan3A_13 to %scan3A_15 step %scan3A_16 iter_args(%scan3A_41 = %scan3A) -> (i32)  : i32 {
      %mul3A_42 = arith.constant 2 : i32
      %mul3A_43 = arith.muli %mul3A_42, %scan3A_40 : i32
      %broadcast_in_dim3A = vector.broadcast %mul3A_43 : i32 to vector<16xi32>
      %gather3A = tpu.vector_load_idx %arg7[%broadcast_in_dim3A] : memref<64xf32, #tpu.memory_space<vmem>>[vector<16xi32>], vector<16xf32>,
      %mul3A_44 = arith.constant 2 : i32
      %mul3A_45 = arith.muli %mul3A_44, %scan3A_40 : i32
      %add3A_46 = arith.constant 1 : i32
      %add3A_47 = arith.addi %mul3A_45, %add3A_46 : i32
      %broadcast_in_dim3A_48 = vector.broadcast %add3A_47 : i32 to vector<16xi32>
      %gather3A_49 = tpu.vector_load_idx %arg7[%broadcast_in_dim3A_48] : memref<64xf32, #tpu.memory_space<vmem>>[vector<16xi32>], vector<16xf32>,
      %scan3A_50 = arith.constant 0 : i32
      %scan3A_51 = arith.constant 0 : i32
      %scan3A_52 = arith.constant 64 : i32
      %scan3A_53 = arith.addi %scan3A_51, %scan3A_52 : i32
      %scan3A_54 = arith.constant 1 : i32
      %scan3A_55 = scf.for %scan3A_57 = %scan3A_51 to %scan3A_53 step %scan3A_54 iter_args(%scan3A_58 = %scan3A_50) -> (i32)  : i32 {
        %mul3A_59 = arith.constant 16 : i32
        %mul3A_60 = arith.muli %scan3A_57, %mul3A_59 : i32
        %mul3A_61 = arith.constant 2 : i32
        %mul3A_62 = arith.muli %mul3A_61, %scan3A_40 : i32
        %get3A = arith.index_cast %mul3A_62 : i32 to index
        %get3A_63 = arith.index_cast %mul3A_60 : i32 to index
        %get3A_64 = tpu.vector_load %arg8[%get3A, %get3A_63] {strides = array<i32>} : memref<64x1024xf32, #tpu.memory_space<vmem>>, vector<16xf32>,
        %mul3A_65 = arith.mulf %gather3A, %get3A_64 : vector<16xf32>
        %mul3A_66 = arith.constant 2 : i32
        %mul3A_67 = arith.muli %mul3A_66, %scan3A_40 : i32
        %add3A_68 = arith.constant 1 : i32
        %add3A_69 = arith.addi %mul3A_67, %add3A_68 : i32
        %get3A_70 = arith.index_cast %add3A_69 : i32 to index
        %get3A_71 = arith.index_cast %mul3A_60 : i32 to index
        %get3A_72 = tpu.vector_load %arg8[%get3A_70, %get3A_71] {strides = array<i32>} : memref<64x1024xf32, #tpu.memory_space<vmem>>, vector<16xf32>,
        %mul3A_73 = arith.mulf %gather3A_49, %get3A_72 : vector<16xf32>
        %add3A_74 = arith.addf %mul3A_65, %mul3A_73 : vector<16xf32>
        %swap3A = arith.index_cast %scan3A_40 : i32 to index
        %swap3A_75 = arith.index_cast %mul3A_60 : i32 to index
        %swap3A_76 = tpu.vector_load %arg9[%swap3A, %swap3A_75] {strides = array<i32>} : memref<32x1024xf32, #tpu.memory_space<vmem>>, vector<16xf32>,
        tpu.vector_store %arg9[%swap3A, %swap3A_75], %add3A_74 {strides = array<i32>} : memref<32x1024xf32, #tpu.memory_space<vmem>>, vector<16xf32>,
        %scan3A_77 = arith.constant 0 : i32
        scf.yield %scan3A_77 : i32
      }
      %scan3A_56 = arith.constant 64 : i32
      scf.yield %scan3A_55 : i32
    }
    %scan3A_18 = arith.constant 32 : i32
    "tpu.region"() ({
      %run_scoped3A = tpu.sem_alloc : memref<!tpu.dma_semaphore, #tpu.memory_space<semaphore_mem>>
      %dma_start3A_40 = arith.constant 0 : i32
      %dma_start3A_41 = tpu.memref_slice %arg5[%add3A_4, %dma_start3A_40] : memref<2048x1024xf32, #tpu.memory_space<hbm>> -> memref<32x1024xf32, #tpu.memory_space<hbm>>
      %dma_start3A_42 = arith.constant 0 : i32
      %dma_start3A_43 = tpu.memref_slice %arg5[%add3A_4, %dma_start3A_42] : memref<2048x1024xf32, #tpu.memory_space<hbm>> -> memref<32x1024xf32, #tpu.memory_space<hbm>>
      tpu.enqueue_dma source(%arg9 : memref<32x1024xf32, #tpu.memory_space<vmem>>) target(%dma_start3A_43 : memref<32x1024xf32, #tpu.memory_space<hbm>>) target_semaphore(%run_scoped3A : memref<!tpu.dma_semaphore, #tpu.memory_space<semaphore_mem>>)
      %dma_wait3A_44 = arith.constant 0 : i32
      %dma_wait3A_45 = tpu.memref_slice %arg5[%add3A_4, %dma_wait3A_44] : memref<2048x1024xf32, #tpu.memory_space<hbm>> -> memref<32x1024xf32, #tpu.memory_space<hbm>>
      %dma_wait3A_46 = arith.constant 0 : i32
      %dma_wait3A_47 = tpu.memref_slice %arg5[%add3A_4, %dma_wait3A_46] : memref<2048x1024xf32, #tpu.memory_space<hbm>> -> memref<32x1024xf32, #tpu.memory_space<hbm>>
      tpu.wait_dma2 semaphore(%run_scoped3A : memref<!tpu.dma_semaphore, #tpu.memory_space<semaphore_mem>>) src(%arg9 : memref<32x1024xf32, #tpu.memory_space<vmem>>) dst(%dma_wait3A_47 : memref<32x1024xf32, #tpu.memory_space<hbm>>)
      tpu.yield
    }) : () -> ()
    %mul3A_19 = arith.constant 64 : i32
    %mul3A_20 = arith.muli %add3A, %mul3A_19 : i32
    %add3A_21 = arith.constant 32 : i32
    %add3A_22 = arith.addi %mul3A_20, %add3A_21 : i32
    %mul3A_23 = arith.constant 2 : i32
    %mul3A_24 = arith.muli %mul3A_23, %add3A_22 : i32
    "tpu.region"() ({
      %run_scoped3A = tpu.sem_alloc : memref<!tpu.dma_semaphore, #tpu.memory_space<semaphore_mem>>
      %dma_start3A_40 = tpu.memref_slice %arg3[%mul3A_24] : memref<4096xi32, #tpu.memory_space<hbm>> -> memref<64xi32, #tpu.memory_space<hbm>>
      %dma_start3A_41 = tpu.memref_slice %arg3[%mul3A_24] : memref<4096xi32, #tpu.memory_space<hbm>> -> memref<64xi32, #tpu.memory_space<hbm>>
      tpu.enqueue_dma source(%dma_start3A_41 : memref<64xi32, #tpu.memory_space<hbm>>) target(%arg6 : memref<64xi32, #tpu.memory_space<vmem>>) target_semaphore(%run_scoped3A : memref<!tpu.dma_semaphore, #tpu.memory_space<semaphore_mem>>)
      %dma_wait3A_42 = tpu.memref_slice %arg3[%mul3A_24] : memref<4096xi32, #tpu.memory_space<hbm>> -> memref<64xi32, #tpu.memory_space<hbm>>
      %dma_wait3A_43 = tpu.memref_slice %arg3[%mul3A_24] : memref<4096xi32, #tpu.memory_space<hbm>> -> memref<64xi32, #tpu.memory_space<hbm>>
      tpu.wait_dma2 semaphore(%run_scoped3A : memref<!tpu.dma_semaphore, #tpu.memory_space<semaphore_mem>>) src(%dma_wait3A_43 : memref<64xi32, #tpu.memory_space<hbm>>) dst(%arg6 : memref<64xi32, #tpu.memory_space<vmem>>)
      tpu.yield
    }) : () -> ()
    %mul3A_25 = arith.constant 2 : i32
    %mul3A_26 = arith.muli %mul3A_25, %add3A_22 : i32
    "tpu.region"() ({
      %run_scoped3A = tpu.sem_alloc : memref<!tpu.dma_semaphore, #tpu.memory_space<semaphore_mem>>
      %dma_start3A_40 = tpu.memref_slice %arg4[%mul3A_26] : memref<4096xf32, #tpu.memory_space<hbm>> -> memref<64xf32, #tpu.memory_space<hbm>>
      %dma_start3A_41 = tpu.memref_slice %arg4[%mul3A_26] : memref<4096xf32, #tpu.memory_space<hbm>> -> memref<64xf32, #tpu.memory_space<hbm>>
      tpu.enqueue_dma source(%dma_start3A_41 : memref<64xf32, #tpu.memory_space<hbm>>) target(%arg7 : memref<64xf32, #tpu.memory_space<vmem>>) target_semaphore(%run_scoped3A : memref<!tpu.dma_semaphore, #tpu.memory_space<semaphore_mem>>)
      %dma_wait3A_42 = tpu.memref_slice %arg4[%mul3A_26] : memref<4096xf32, #tpu.memory_space<hbm>> -> memref<64xf32, #tpu.memory_space<hbm>>
      %dma_wait3A_43 = tpu.memref_slice %arg4[%mul3A_26] : memref<4096xf32, #tpu.memory_space<hbm>> -> memref<64xf32, #tpu.memory_space<hbm>>
      tpu.wait_dma2 semaphore(%run_scoped3A : memref<!tpu.dma_semaphore, #tpu.memory_space<semaphore_mem>>) src(%dma_wait3A_43 : memref<64xf32, #tpu.memory_space<hbm>>) dst(%arg7 : memref<64xf32, #tpu.memory_space<vmem>>)
      tpu.yield
    }) : () -> ()
    %dma_start3A_27 = arith.constant 0 : i32
    %dma_start3A_28 = arith.constant 0 : i32
    %dma_start3A_29 = tpu.memref_slice %arg2[%dma_start3A_27, %dma_start3A_28] : memref<5120x1024xf32, #tpu.memory_space<hbm>> -> memref<5120x1024xf32, #tpu.memory_space<hbm>>
    tpu.enqueue_indirect_dma source(%dma_start3A_29 : memref<5120x1024xf32, #tpu.memory_space<hbm>>) target(%arg8 : memref<64x1024xf32, #tpu.memory_space<vmem>>) offsets(%arg6 : memref<64xi32, #tpu.memory_space<vmem>>) semaphore(%arg10 : memref<!tpu.dma_semaphore, #tpu.memory_space<semaphore_mem>>)
    %dma_wait3A_30 = arith.constant 0 : i32
    %dma_wait3A_31 = arith.constant 0 : i32
    %dma_wait3A_32 = tpu.memref_slice %arg2[%dma_wait3A_30, %dma_wait3A_31] : memref<5120x1024xf32, #tpu.memory_space<hbm>> -> memref<5120x1024xf32, #tpu.memory_space<hbm>>
    tpu.wait_indirect_dma semaphore(%arg10 : memref<!tpu.dma_semaphore, #tpu.memory_space<semaphore_mem>>) src(%dma_wait3A_32 : memref<5120x1024xf32, #tpu.memory_space<hbm>>) dst(%arg8 : memref<64x1024xf32, #tpu.memory_space<vmem>>)
    %scan3A_33 = arith.constant 0 : i32
    %scan3A_34 = arith.constant 0 : i32
    %scan3A_35 = arith.constant 32 : i32
    %scan3A_36 = arith.addi %scan3A_34, %scan3A_35 : i32
    %scan3A_37 = arith.constant 1 : i32
    %scan3A_38 = scf.for %scan3A_40 = %scan3A_34 to %scan3A_36 step %scan3A_37 iter_args(%scan3A_41 = %scan3A_33) -> (i32)  : i32 {
      %mul3A_42 = arith.constant 2 : i32
      %mul3A_43 = arith.muli %mul3A_42, %scan3A_40 : i32
      %broadcast_in_dim3A = vector.broadcast %mul3A_43 : i32 to vector<16xi32>
      %gather3A = tpu.vector_load_idx %arg7[%broadcast_in_dim3A] : memref<64xf32, #tpu.memory_space<vmem>>[vector<16xi32>], vector<16xf32>,
      %mul3A_44 = arith.constant 2 : i32
      %mul3A_45 = arith.muli %mul3A_44, %scan3A_40 : i32
      %add3A_46 = arith.constant 1 : i32
      %add3A_47 = arith.addi %mul3A_45, %add3A_46 : i32
      %broadcast_in_dim3A_48 = vector.broadcast %add3A_47 : i32 to vector<16xi32>
      %gather3A_49 = tpu.vector_load_idx %arg7[%broadcast_in_dim3A_48] : memref<64xf32, #tpu.memory_space<vmem>>[vector<16xi32>], vector<16xf32>,
      %scan3A_50 = arith.constant 0 : i32
      %scan3A_51 = arith.constant 0 : i32
      %scan3A_52 = arith.constant 64 : i32
      %scan3A_53 = arith.addi %scan3A_51, %scan3A_52 : i32
      %scan3A_54 = arith.constant 1 : i32
      %scan3A_55 = scf.for %scan3A_57 = %scan3A_51 to %scan3A_53 step %scan3A_54 iter_args(%scan3A_58 = %scan3A_50) -> (i32)  : i32 {
        %mul3A_59 = arith.constant 16 : i32
        %mul3A_60 = arith.muli %scan3A_57, %mul3A_59 : i32
        %mul3A_61 = arith.constant 2 : i32
        %mul3A_62 = arith.muli %mul3A_61, %scan3A_40 : i32
        %get3A = arith.index_cast %mul3A_62 : i32 to index
        %get3A_63 = arith.index_cast %mul3A_60 : i32 to index
        %get3A_64 = tpu.vector_load %arg8[%get3A, %get3A_63] {strides = array<i32>} : memref<64x1024xf32, #tpu.memory_space<vmem>>, vector<16xf32>,
        %mul3A_65 = arith.mulf %gather3A, %get3A_64 : vector<16xf32>
        %mul3A_66 = arith.constant 2 : i32
        %mul3A_67 = arith.muli %mul3A_66, %scan3A_40 : i32
        %add3A_68 = arith.constant 1 : i32
        %add3A_69 = arith.addi %mul3A_67, %add3A_68 : i32
        %get3A_70 = arith.index_cast %add3A_69 : i32 to index
        %get3A_71 = arith.index_cast %mul3A_60 : i32 to index
        %get3A_72 = tpu.vector_load %arg8[%get3A_70, %get3A_71] {strides = array<i32>} : memref<64x1024xf32, #tpu.memory_space<vmem>>, vector<16xf32>,
        %mul3A_73 = arith.mulf %gather3A_49, %get3A_72 : vector<16xf32>
        %add3A_74 = arith.addf %mul3A_65, %mul3A_73 : vector<16xf32>
        %swap3A = arith.index_cast %scan3A_40 : i32 to index
        %swap3A_75 = arith.index_cast %mul3A_60 : i32 to index
        %swap3A_76 = tpu.vector_load %arg9[%swap3A, %swap3A_75] {strides = array<i32>} : memref<32x1024xf32, #tpu.memory_space<vmem>>, vector<16xf32>,
        tpu.vector_store %arg9[%swap3A, %swap3A_75], %add3A_74 {strides = array<i32>} : memref<32x1024xf32, #tpu.memory_space<vmem>>, vector<16xf32>,
        %scan3A_77 = arith.constant 0 : i32
        scf.yield %scan3A_77 : i32
      }
      %scan3A_56 = arith.constant 64 : i32
      scf.yield %scan3A_55 : i32
    }
    %scan3A_39 = arith.constant 32 : i32
    "tpu.region"() ({
      %run_scoped3A = tpu.sem_alloc : memref<!tpu.dma_semaphore, #tpu.memory_space<semaphore_mem>>
      %dma_start3A_40 = arith.constant 0 : i32
      %dma_start3A_41 = tpu.memref_slice %arg5[%add3A_22, %dma_start3A_40] : memref<2048x1024xf32, #tpu.memory_space<hbm>> -> memref<32x1024xf32, #tpu.memory_space<hbm>>
      %dma_start3A_42 = arith.constant 0 : i32
      %dma_start3A_43 = tpu.memref_slice %arg5[%add3A_22, %dma_start3A_42] : memref<2048x1024xf32, #tpu.memory_space<hbm>> -> memref<32x1024xf32, #tpu.memory_space<hbm>>
      tpu.enqueue_dma source(%arg9 : memref<32x1024xf32, #tpu.memory_space<vmem>>) target(%dma_start3A_43 : memref<32x1024xf32, #tpu.memory_space<hbm>>) target_semaphore(%run_scoped3A : memref<!tpu.dma_semaphore, #tpu.memory_space<semaphore_mem>>)
      %dma_wait3A_44 = arith.constant 0 : i32
      %dma_wait3A_45 = tpu.memref_slice %arg5[%add3A_22, %dma_wait3A_44] : memref<2048x1024xf32, #tpu.memory_space<hbm>> -> memref<32x1024xf32, #tpu.memory_space<hbm>>
      %dma_wait3A_46 = arith.constant 0 : i32
      %dma_wait3A_47 = tpu.memref_slice %arg5[%add3A_22, %dma_wait3A_46] : memref<2048x1024xf32, #tpu.memory_space<hbm>> -> memref<32x1024xf32, #tpu.memory_space<hbm>>
      tpu.wait_dma2 semaphore(%run_scoped3A : memref<!tpu.dma_semaphore, #tpu.memory_space<semaphore_mem>>) src(%arg9 : memref<32x1024xf32, #tpu.memory_space<vmem>>) dst(%dma_wait3A_47 : memref<32x1024xf32, #tpu.memory_space<hbm>>)
      tpu.yield
    }) : () -> ()
    return
  }
}

module attributes {stable_mosaic.version = 14 : i64} {
  func.func @_router_body(%arg0: memref<2048x1024xf32, #tpu.memory_space<vmem>>, %arg1: memref<16x1024xf32, #tpu.memory_space<vmem>>, %arg2: memref<2048x2xf32, #tpu.memory_space<vmem>>, %arg3: memref<2048x2xi32, #tpu.memory_space<vmem>>, %arg4: memref<2048x1024xbf16, #tpu.memory_space<vmem>>) attributes {dimension_semantics = [], scalar_prefetch = 0 : i64, scratch_operands = 0 : i64, tpu.core_type = #tpu.core_type<tc>} {
    %get3A = arith.constant 0 : index
    %get3A_0 = arith.constant 0 : index
    %get3A_1 = vector.load %arg0[%get3A, %get3A_0] : memref<2048x1024xf32, #tpu.memory_space<vmem>>, vector<2048x1024xf32>
    %convert_element_type3A = arith.truncf %get3A_1 : vector<2048x1024xf32> to vector<2048x1024xbf16>
    %swap3A = arith.constant 0 : index
    %swap3A_2 = arith.constant 0 : index
    %swap3A_3 = vector.load %arg4[%swap3A, %swap3A_2] : memref<2048x1024xbf16, #tpu.memory_space<vmem>>, vector<2048x1024xbf16>
    tpu.vector_store %arg4[%swap3A, %swap3A_2], %convert_element_type3A {strides = array<i32>} : memref<2048x1024xbf16, #tpu.memory_space<vmem>>, vector<2048x1024xbf16>,
    %get3A_4 = arith.constant 0 : index
    %get3A_5 = arith.constant 0 : index
    %get3A_6 = vector.load %arg1[%get3A_4, %get3A_5] : memref<16x1024xf32, #tpu.memory_space<vmem>>, vector<8x1024xf32>
    %dot_general3A = arith.constant dense<0.000000e+00> : vector<2048x8xf32>
    %dot_general3A_7 = tpu.matmul %get3A_1, %get3A_6, %dot_general3A {dimension_numbers = #tpu.dot_dimension_numbers<[1], [1], [0], [0], [0, 0, 1, 0], [], []>, transpose_lhs_hint = false} : vector<2048x1024xf32>, vector<8x1024xf32>, vector<2048x8xf32> -> vector<2048x8xf32>
    %reduce_max3A = arith.constant dense<0xFF800000> : vector<2048xf32>
    %reduce_max3A_8 = vector.multi_reduction <maximumf>, %dot_general3A_7, %reduce_max3A [1] : vector<2048x8xf32> to vector<2048xf32>
    %broadcast_in_dim3A = vector.shape_cast %reduce_max3A_8 : vector<2048xf32> to vector<2048x1xf32>
    %sub3A = vector.broadcast %broadcast_in_dim3A : vector<2048x1xf32> to vector<2048x8xf32>
    %sub3A_9 = arith.subf %dot_general3A_7, %sub3A : vector<2048x8xf32>
    %exp3A = math.exp %sub3A_9 : vector<2048x8xf32>
    %reduce_sum3A = arith.constant dense<0.000000e+00> : vector<2048xf32>
    %reduce_sum3A_10 = vector.multi_reduction <add>, %exp3A, %reduce_sum3A [1] : vector<2048x8xf32> to vector<2048xf32>
    %broadcast_in_dim3A_11 = vector.shape_cast %reduce_sum3A_10 : vector<2048xf32> to vector<2048x1xf32>
    %div3A = vector.broadcast %broadcast_in_dim3A_11 : vector<2048x1xf32> to vector<2048x8xf32>
    %div3A_12 = arith.divf %exp3A, %div3A : vector<2048x8xf32>
    %iota3A = tpu.iota {dimensions = array<i32: 1>} : vector<2048x8xi32>
    %reduce_max3A_13 = arith.constant dense<0xFF800000> : vector<2048xf32>
    %reduce_max3A_14 = vector.multi_reduction <maximumf>, %div3A_12, %reduce_max3A_13 [1] : vector<2048x8xf32> to vector<2048xf32>
    %broadcast_in_dim3A_15 = vector.shape_cast %reduce_max3A_14 : vector<2048xf32> to vector<2048x1xf32>
    %eq3A = vector.broadcast %broadcast_in_dim3A_15 : vector<2048x1xf32> to vector<2048x8xf32>
    %eq3A_16 = arith.cmpf oeq, %div3A_12, %eq3A : vector<2048x8xf32>
    %jit3A = arith.constant 8 : i32
    %broadcast_in_dim3A_17 = vector.broadcast %jit3A : i32 to vector<2048x8xi32>
    %select_n3A = arith.select %eq3A_16, %iota3A, %broadcast_in_dim3A_17 : vector<2048x8xi1>, vector<2048x8xi32>
    %reduce_min3A = arith.constant dense<2147483647> : vector<2048xi32>
    %reduce_min3A_18 = vector.multi_reduction <minsi>, %select_n3A, %reduce_min3A [1] : vector<2048x8xi32> to vector<2048xi32>
    %broadcast_in_dim3A_19 = vector.shape_cast %reduce_min3A_18 : vector<2048xi32> to vector<2048x1xi32>
    %eq3A_20 = vector.broadcast %broadcast_in_dim3A_19 : vector<2048x1xi32> to vector<2048x8xi32>
    %eq3A_21 = arith.cmpi eq, %iota3A, %eq3A_20 : vector<2048x8xi32>
    %jit3A_22 = arith.constant -1.000000e+00 : f32
    %broadcast_in_dim3A_23 = vector.broadcast %jit3A_22 : f32 to vector<2048x8xf32>
    %select_n3A_24 = arith.select %eq3A_21, %broadcast_in_dim3A_23, %div3A_12 : vector<2048x8xi1>, vector<2048x8xf32>
    %reduce_max3A_25 = arith.constant dense<0xFF800000> : vector<2048xf32>
    %reduce_max3A_26 = vector.multi_reduction <maximumf>, %select_n3A_24, %reduce_max3A_25 [1] : vector<2048x8xf32> to vector<2048xf32>
    %broadcast_in_dim3A_27 = vector.shape_cast %reduce_max3A_26 : vector<2048xf32> to vector<2048x1xf32>
    %eq3A_28 = vector.broadcast %broadcast_in_dim3A_27 : vector<2048x1xf32> to vector<2048x8xf32>
    %eq3A_29 = arith.cmpf oeq, %select_n3A_24, %eq3A_28 : vector<2048x8xf32>
    %jit3A_30 = arith.constant 8 : i32
    %broadcast_in_dim3A_31 = vector.broadcast %jit3A_30 : i32 to vector<2048x8xi32>
    %select_n3A_32 = arith.select %eq3A_29, %iota3A, %broadcast_in_dim3A_31 : vector<2048x8xi1>, vector<2048x8xi32>
    %reduce_min3A_33 = arith.constant dense<2147483647> : vector<2048xi32>
    %reduce_min3A_34 = vector.multi_reduction <minsi>, %select_n3A_32, %reduce_min3A_33 [1] : vector<2048x8xi32> to vector<2048xi32>
    %broadcast_in_dim3A_35 = vector.shape_cast %reduce_min3A_34 : vector<2048xi32> to vector<2048x1xi32>
    %concatenate3A = tpu.concatenate %broadcast_in_dim3A_15, %broadcast_in_dim3A_27 in 1 : vector<2048x1xf32>, vector<2048x1xf32> -> vector<2048x2xf32>
    %swap3A_36 = arith.constant 0 : index
    %swap3A_37 = arith.constant 0 : index
    %swap3A_38 = vector.load %arg2[%swap3A_36, %swap3A_37] : memref<2048x2xf32, #tpu.memory_space<vmem>>, vector<2048x2xf32>
    tpu.vector_store %arg2[%swap3A_36, %swap3A_37], %concatenate3A {strides = array<i32>} : memref<2048x2xf32, #tpu.memory_space<vmem>>, vector<2048x2xf32>,
    %concatenate3A_39 = tpu.concatenate %broadcast_in_dim3A_19, %broadcast_in_dim3A_35 in 1 : vector<2048x1xi32>, vector<2048x1xi32> -> vector<2048x2xi32>
    %swap3A_40 = arith.constant 0 : index
    %swap3A_41 = arith.constant 0 : index
    %swap3A_42 = vector.load %arg3[%swap3A_40, %swap3A_41] : memref<2048x2xi32, #tpu.memory_space<vmem>>, vector<2048x2xi32>
    tpu.vector_store %arg3[%swap3A_40, %swap3A_41], %concatenate3A_39 {strides = array<i32>} : memref<2048x2xi32, #tpu.memory_space<vmem>>, vector<2048x2xi32>,
    return
  }
}

module attributes {stable_mosaic.version = 14 : i64} {
  func.func @_d1_body(%arg0: i32, %arg1: memref<48xi32, #tpu.memory_space<smem>>, %arg2: memref<128x1024xbf16, #tpu.memory_space<vmem>>, %arg3: memref<1x1024x4096xbf16, #tpu.memory_space<vmem>>, %arg4: memref<128x4096xbf16, #tpu.memory_space<vmem>>) attributes {dimension_semantics = [#tpu.dimension_semantics<arbitrary>], iteration_bounds = array<i64: 40>, scalar_prefetch = 1 : i64, scratch_operands = 0 : i64, tpu.core_type = #tpu.core_type<tc>, window_params = [{transform_indices = @transform_0, window_bounds = array<i64: 128, 1024>}, {transform_indices = @transform_1, window_bounds = array<i64: 1, 1024, 4096>}, {transform_indices = @transform_2, window_bounds = array<i64: 128, 4096>}]} {
    %get3A = arith.constant 0 : index
    %get3A_0 = arith.constant 0 : index
    %get3A_1 = vector.load %arg2[%get3A, %get3A_0] : memref<128x1024xbf16, #tpu.memory_space<vmem>>, vector<128x1024xbf16>
    %get3A_2 = arith.constant 0 : index
    %get3A_3 = arith.constant 0 : index
    %get3A_4 = arith.constant 0 : index
    %get3A_5 = vector.load %arg3[%get3A_2, %get3A_3, %get3A_4] : memref<1x1024x4096xbf16, #tpu.memory_space<vmem>>, vector<1x1024x4096xbf16>
    %get3A_6 = vector.shape_cast %get3A_5 : vector<1x1024x4096xbf16> to vector<1024x4096xbf16>
    %dot_general3A = arith.constant dense<0.000000e+00> : vector<128x4096xf32>
    %dot_general3A_7 = tpu.matmul %get3A_1, %get3A_6, %dot_general3A {dimension_numbers = #tpu.dot_dimension_numbers<[1], [0], [0], [1], [0, 0, 1, 1], [], []>, transpose_lhs_hint = false} : vector<128x1024xbf16>, vector<1024x4096xbf16>, vector<128x4096xf32> -> vector<128x4096xf32>
    %mul3A = arith.constant 5.000000e-01 : f32
    %mul3A_8 = vector.broadcast %mul3A : f32 to vector<128x4096xf32>
    %mul3A_9 = arith.mulf %dot_general3A_7, %mul3A_8 : vector<128x4096xf32>
    %mul3A_10 = arith.constant 0.707106769 : f32
    %mul3A_11 = vector.broadcast %mul3A_10 : f32 to vector<128x4096xf32>
    %mul3A_12 = arith.mulf %dot_general3A_7, %mul3A_11 : vector<128x4096xf32>
    %erf3A = math.erf %mul3A_12 : vector<128x4096xf32>
    %add3A = arith.constant 1.000000e+00 : f32
    %add3A_13 = vector.broadcast %add3A : f32 to vector<128x4096xf32>
    %add3A_14 = arith.addf %add3A_13, %erf3A : vector<128x4096xf32>
    %mul3A_15 = arith.mulf %mul3A_9, %add3A_14 : vector<128x4096xf32>
    %convert_element_type3A = arith.truncf %mul3A_15 : vector<128x4096xf32> to vector<128x4096xbf16>
    %swap3A = arith.constant 0 : index
    %swap3A_16 = arith.constant 0 : index
    %swap3A_17 = vector.load %arg4[%swap3A, %swap3A_16] : memref<128x4096xbf16, #tpu.memory_space<vmem>>, vector<128x4096xbf16>
    tpu.vector_store %arg4[%swap3A, %swap3A_16], %convert_element_type3A {strides = array<i32>} : memref<128x4096xbf16, #tpu.memory_space<vmem>>, vector<128x4096xbf16>,
    return
  }
  func.func @transform_0(%arg0: i32, %arg1: memref<48xi32, #tpu.memory_space<smem>>) -> (i32, i32) {
    %c0_i32 = arith.constant 0 : i32
    %c0_i32_0 = arith.constant 0 : i32
    return %arg0, %c0_i32 : i32, i32
  }
  func.func @transform_1(%arg0: i32, %arg1: memref<48xi32, #tpu.memory_space<smem>>) -> (i32, i32, i32) {
    %get3A = arith.index_cast %arg0 : i32 to index
    %get3A_0 = memref.load %arg1[%get3A] : memref<48xi32, #tpu.memory_space<smem>>
    %c0_i32 = arith.constant 0 : i32
    %c0_i32_1 = arith.constant 0 : i32
    %c0_i32_2 = arith.constant 0 : i32
    return %get3A_0, %c0_i32, %c0_i32_1 : i32, i32, i32
  }
  func.func @transform_2(%arg0: i32, %arg1: memref<48xi32, #tpu.memory_space<smem>>) -> (i32, i32) {
    %c0_i32 = arith.constant 0 : i32
    %c0_i32_0 = arith.constant 0 : i32
    return %arg0, %c0_i32 : i32, i32
  }
}

module attributes {stable_mosaic.version = 14 : i64} {
  func.func @_d2_body(%arg0: i32, %arg1: memref<48xi32, #tpu.memory_space<smem>>, %arg2: memref<128x4096xbf16, #tpu.memory_space<vmem>>, %arg3: memref<1x4096x1024xbf16, #tpu.memory_space<vmem>>, %arg4: memref<128x1024xf32, #tpu.memory_space<vmem>>) attributes {dimension_semantics = [#tpu.dimension_semantics<arbitrary>], iteration_bounds = array<i64: 40>, scalar_prefetch = 1 : i64, scratch_operands = 0 : i64, tpu.core_type = #tpu.core_type<tc>, window_params = [{transform_indices = @transform_0, window_bounds = array<i64: 128, 4096>}, {transform_indices = @transform_1, window_bounds = array<i64: 1, 4096, 1024>}, {transform_indices = @transform_2, window_bounds = array<i64: 128, 1024>}]} {
    %get3A = arith.constant 0 : index
    %get3A_0 = arith.constant 0 : index
    %get3A_1 = vector.load %arg2[%get3A, %get3A_0] : memref<128x4096xbf16, #tpu.memory_space<vmem>>, vector<128x4096xbf16>
    %get3A_2 = arith.constant 0 : index
    %get3A_3 = arith.constant 0 : index
    %get3A_4 = arith.constant 0 : index
    %get3A_5 = vector.load %arg3[%get3A_2, %get3A_3, %get3A_4] : memref<1x4096x1024xbf16, #tpu.memory_space<vmem>>, vector<1x4096x1024xbf16>
    %get3A_6 = vector.shape_cast %get3A_5 : vector<1x4096x1024xbf16> to vector<4096x1024xbf16>
    %dot_general3A = arith.constant dense<0.000000e+00> : vector<128x1024xf32>
    %dot_general3A_7 = tpu.matmul %get3A_1, %get3A_6, %dot_general3A {dimension_numbers = #tpu.dot_dimension_numbers<[1], [0], [0], [1], [0, 0, 1, 1], [], []>, transpose_lhs_hint = false} : vector<128x4096xbf16>, vector<4096x1024xbf16>, vector<128x1024xf32> -> vector<128x1024xf32>
    %swap3A = arith.constant 0 : index
    %swap3A_8 = arith.constant 0 : index
    %swap3A_9 = vector.load %arg4[%swap3A, %swap3A_8] : memref<128x1024xf32, #tpu.memory_space<vmem>>, vector<128x1024xf32>
    tpu.vector_store %arg4[%swap3A, %swap3A_8], %dot_general3A_7 {strides = array<i32>} : memref<128x1024xf32, #tpu.memory_space<vmem>>, vector<128x1024xf32>,
    return
  }
  func.func @transform_0(%arg0: i32, %arg1: memref<48xi32, #tpu.memory_space<smem>>) -> (i32, i32) {
    %c0_i32 = arith.constant 0 : i32
    %c0_i32_0 = arith.constant 0 : i32
    return %arg0, %c0_i32 : i32, i32
  }
  func.func @transform_1(%arg0: i32, %arg1: memref<48xi32, #tpu.memory_space<smem>>) -> (i32, i32, i32) {
    %get3A = arith.index_cast %arg0 : i32 to index
    %get3A_0 = memref.load %arg1[%get3A] : memref<48xi32, #tpu.memory_space<smem>>
    %c0_i32 = arith.constant 0 : i32
    %c0_i32_1 = arith.constant 0 : i32
    %c0_i32_2 = arith.constant 0 : i32
    return %get3A_0, %c0_i32, %c0_i32_1 : i32, i32, i32
  }
  func.func @transform_2(%arg0: i32, %arg1: memref<48xi32, #tpu.memory_space<smem>>) -> (i32, i32) {
    %c0_i32 = arith.constant 0 : i32
    %c0_i32_0 = arith.constant 0 : i32
    return %arg0, %c0_i32 : i32, i32
  }
}

</mosaic_0001>

<sc_bundles>
// kernel: kernel.11.cloned.1.call-start
scs
__scs_entry_jumppad:
0x0: {  	(pc) =	sbr.rel $0x88, $3  }
0x1: {  	(tag) =	ssettag $0x0;
	lr =	simm.s32 $0x1  }
0x2: {  	[smem:$0x3F9D] =	sst lr;
	_ =	strace $0xD0000000  }
0x3: {  	_ = 	snop  }
0x4: {  	_ = 	snop  }
0x5: {  	_ = 	snop  }
0x6: {  	_ = 	snop  }
0x7: {  	_ = 	snop  }
__scs_overlays_trampoline_lowered:
0x8: {  	[smem:$0x3FAC] =	sst s0  }
0x9: {  	[smem:$0x3FAD] =	sst s1  }
0xa: {  	[smem:$0x3FAE] =	sst s2  }
0xb: {  	[smem:$0x3FAF] =	sst s3  }
0xc: {  	[smem:$0x3FB0] =	sst s4  }
0xd: {  	[smem:$0x3FB1] =	sst s5  }
0xe: {  	[smem:$0x3FB2] =	sst s6  }
0xf: {  	[smem:$0x3FB3] =	sst s7  }
0x10: {  	[smem:$0x3FB4] =	sst s8  }
0x11: {  	[smem:$0x3FB5] =	sst s9;
	s0 =	simm.s32 @!p0 $0x0  }
0x12: {  	s1 =	sld [smem:$0x3F9B];
	s0 =	simm.s32 @p0 $0x1  }
0x13: {  	[smem:$0x3FB6] =	sst s0;
	s0 =	simm.s32 @!p1 $0x0  }
0x14: {  	s2 =	sld [smem:$0x3F9A];
	s0 =	simm.s32 @p1 $0x1  }
0x15: {  	[smem:$0x3FB7] =	sst s0;
	s0 =	simm.s32 @!p2 $0x0  }
0x16: {  	s3 =	sld [smem:$0x3FDB];
	s0 =	simm.s32 @p2 $0x1  }
0x17: {  	s4 =	simm.s32 $0x1BF5;
	[smem:$0x3FB9] =	sst s0  }
0x18: {  	s0 =	sld [smem:$0x3F9C];
	_ =	swait.ge [sflag:s4], $0x0  }
0x19: {  	s7 =	sld [smem:$0x3F9D]  }
0x1a: {  	s8 =	sadd.s32 $0xFFFFE003, lr  }
0x1b: {  	s9 =	sadd.s32 $0xFFFFFEF7, lr;
	s5 =	simm.s32 $0xFFFFFFFF;
	p2 =	slt.u32 s8, $0xFFFFF086  }
0x1c: {  	p1 =	slt.u32 s9, $0xF7A;
	s5 =	simm.s32 @!p2 $0x0  }
0x1d: {  	s5 =	simm.s32 @p1 $0x1;
	p0 =	seq.s32 s7, s2  }
0x1e: {  	s7 =	smul.u32 @!p0 $0xF7A, s2;
	p2 =	seq.s32 @!p0 s5, $0x0  }
0x1f: {  	s9 =	smul.u32 $0xF7A, s1;
	s8 =	simm.s32 @!p0 $0x1BF5;
	p2 =	por !p2, p0  }
0x20: {  	[sflag:s8] =	ssyncset.s32 @!p0 $0xFFFFF086;
	s6 =	sadd.s32 @!p0 s3, s7;
	s7 =	simm.s32 @!p0 $0x108  }
0x21: {  	s3 =	sadd.s32 s3, s9;
	s6 =	sadd.s32 @!p0 $0x88, s6;
	s7 =	simm.s32 @p2 $0x1082  }
0x22: {  	[simem:s7], [sflag:s8] =	dma.local @!p0 [hbm:s6], $0xF7A  }
0x23: {  	s9 =	sor.u32 $0xD0000000, s2;
	s6 =	simm.s32 $0x108;
	_ =	swait.ge @!p0 [sflag:s8], $0x0  }
0x24: {  	s3 =	sadd.s32 $0x88, s3;
	s6 =	simm.s32 @!p1 $0x1082;
	[sflag:s4] =	ssyncset.s32 $0xFFFFF086  }
0x25: {  	[simem:s6], [sflag:s4] =	dma.local [hbm:s3], $0xF7A  }
0x26: {  	[smem:$0x3F9D] =	sst s1;
	(tag) =	ssettag s2;
	_ =	strace s9  }
0x27: {  	s1 =	sld [smem:$0x3FAD]  }
0x28: {  	s2 =	sld [smem:$0x3FAE]  }
0x29: {  	s4 =	sld [smem:$0x3FB0]  }
0x2a: {  	p0 =	seq.s32 s5, $0x0;
	s5 =	sld [smem:$0x3FB1]  }
0x2b: {  	s6 =	sld [smem:$0x3FB2]  }
0x2c: {  	s7 =	sld [smem:$0x3FB3]  }
0x2d: {  	s3 =	simm.s32 $0x108;
	s8 =	sld [smem:$0x3FB4]  }
0x2e: {  	s3 =	simm.s32 @!p0 $0x1082;
	s9 =	sld [smem:$0x3FB5]  }
0x2f: {  	lr =	sadd.s32 s0, s3;
	s0 =	sld [smem:$0x3FAC]  }
0x30: {  	s3 =	sld [smem:$0x3FAF]  }
0x31: {  	[smem:$0x3FB8] =	sst s10  }
0x32: {  	s10 =	sld [smem:$0x3FB6];
	_ =	sdelay $0x3  }
0x33: {  	p0 =	seq.s32 s10, $0x1;
	s10 =	sld [smem:$0x3FB8];
	_ =	sdelay $0x3  }
0x34: {  	[smem:$0x3FB8] =	sst s10  }
0x35: {  	s10 =	sld [smem:$0x3FB7];
	_ =	sdelay $0x3  }
0x36: {  	p1 =	seq.s32 s10, $0x1;
	s10 =	sld [smem:$0x3FB8];
	_ =	sdelay $0x3  }
0x37: {  	[smem:$0x3FB8] =	sst s10  }
0x38: {  	s10 =	sld [smem:$0x3FB9]  }
0x39: {  	_ = 	snop;
	(pc) =	sbr.ind lr, $3  }
0x3a: {  	_ = 	snop  }
0x3b: {  	_ = 	snop  }
0x3c: {  	p2 =	seq.s32 s10, $0x1;
	s10 =	sld [smem:$0x3FB8]  }
0x3d: {  	_ =	shalt  }
0x3e: {  	_ =	shalt  }
0x3f: {  	_ =	shalt  }
0x40: {  	_ =	shalt  }
0x41: {  	_ =	shalt  }
0x42: {  	_ =	shalt  }
0x43: {  	_ =	shalt  }
0x44: {  	_ =	shalt  }
0x45: {  	_ =	shalt  }
0x46: {  	_ =	shalt  }
0x47: {  	_ =	shalt  }
0x48: {  	_ =	shalt  }
0x49: {  	_ =	shalt  }
0x4a: {  	_ =	shalt  }
0x4b: {  	_ =	shalt  }
0x4c: {  	_ =	shalt  }
0x4d: {  	_ =	shalt  }
0x4e: {  	_ =	shalt  }
0x4f: {  	_ =	shalt  }
0x50: {  	_ =	shalt  }
0x51: {  	_ =	shalt  }
0x52: {  	_ =	shalt  }
0x53: {  	_ =	shalt  }
0x54: {  	_ =	shalt  }
0x55: {  	_ =	shalt  }
0x56: {  	_ =	shalt  }
0x57: {  	_ =	shalt  }
0x58: {  	_ =	shalt  }
0x59: {  	_ =	shalt  }
0x5a: {  	_ =	shalt  }
0x5b: {  	_ =	shalt  }
0x5c: {  	_ =	shalt  }
0x5d: {  	_ =	shalt  }
0x5e: {  	_ =	shalt  }
0x5f: {  	_ =	shalt  }
0x60: {  	_ =	shalt  }
0x61: {  	_ =	shalt  }
0x62: {  	_ =	shalt  }
0x63: {  	_ =	shalt  }
0x64: {  	_ =	shalt  }
0x65: {  	_ =	shalt  }
0x66: {  	_ =	shalt  }
0x67: {  	_ =	shalt  }
0x68: {  	_ =	shalt  }
0x69: {  	_ =	shalt  }
0x6a: {  	_ =	shalt  }
0x6b: {  	_ =	shalt  }
0x6c: {  	_ =	shalt  }
0x6d: {  	_ =	shalt  }
0x6e: {  	_ =	shalt  }
0x6f: {  	_ =	shalt  }
0x70: {  	_ =	shalt  }
0x71: {  	_ =	shalt  }
0x72: {  	_ =	shalt  }
0x73: {  	_ =	shalt  }
0x74: {  	_ =	shalt  }
0x75: {  	_ =	shalt  }
0x76: {  	_ =	shalt  }
0x77: {  	_ =	shalt  }
0x78: {  	_ =	shalt  }
0x79: {  	_ =	shalt  }
0x7a: {  	_ =	shalt  }
0x7b: {  	_ =	shalt  }
0x7c: {  	_ =	shalt  }
0x7d: {  	_ =	shalt  }
0x7e: {  	_ =	shalt  }
0x7f: {  	_ =	shalt  }
0x80: {  	_ =	shalt  }
0x81: {  	_ =	shalt  }
0x82: {  	_ =	shalt  }
0x83: {  	_ =	shalt  }
0x84: {  	_ =	shalt  }
0x85: {  	_ =	shalt  }
0x86: {  	_ =	shalt  }
0x87: {  	_ =	shalt  }
.Lfunc_end0:
.L_simem_size_0:
called_computation.1_lowered:
.L_overlay_start_0:
0x88: {  	s2 =	sld [smem:$0x3FD9]  }
0x89: {  	s3 =	sld [smem:$0x3FFE];
	_ =	sdelay $0x1  }
0x8a: {  	s1 =	srdreg.scid  }
0x8b: {  	s0 =	sand.u32 $0x1, s1  }
0x8c: {  	s17 =	sshll.u32 s0, $0xA;
	s2 =	sadd.s32 s3, s2  }
0x8d: {  	s2 =	sadd.s32 s2, s17  }
0x8e: {  	[smem:$0x3FC4] =	sst s2  }
0x8f: {  	_ = 	snop  }
0x90: {  	s2 =	sld [smem:$0x3FD0];
	(tm) =	ssettm $0x1  }
0x91: {  	s18 =	sld [smem:$0x3FFB];
	_ =	sdelay $0x3  }
0x92: {  	_ =	strace s18  }
0x93: {  	s3 =	sld [smem:$0x3FFC];
	_ =	sdelay $0x3  }
0x94: {  	_ =	strace s3  }
0x95: {  	s3 =	sld [smem:$0x3FFD];
	_ =	sdelay $0x3  }
0x96: {  	_ =	strace s3  }
0x97: {  	_ =	strace $0x8FFFFFFF  }
0x98: {  	s19 =	sld [smem:$0x3FDB];
	_ =	sdelay $0x1  }
0x99: {  	s4 =	simm.s32 $_scs_section_size  }
0x9a: {  	s5 =	simm.s32 $_size__tile_overlayer_lowered;
	s6 =	simm.s32 $_tile_overlayer_lowered  }
0x9b: {  	s22 =	simm.s32 $0x1BFF;
	s21 =	sshll.u32 s6, $0x1;
	s3 =	sadd.s32 s4, s19  }
0x9c: {  	s7 =	simm.s32 $0x0;
	s20 =	sshll.u32 s5, $0x1;
	s5 =	sadd.s32 s21, s3  }
0x9d: {  	[timem:s7], [sflag:s22] =	dma.local [hbm:s5], s20  }
0x9e: {  	_ =	swait.ge [sflag:s22], s20  }
0x9f: {  	s4 =	ssub.s32 $0x0, s20;
	[sflag:s22] =	ssyncset.done $0x0  }
0xa0: {  	[sflag:s22] =	ssyncadd.s32 s4;
	_ =	sdelay $0x1  }
0xa1: {  	s23 =	simm.s32 $0x1B8B  }
0xa2: {  	_ =	swait.ge [sflag:s23], $0x1  }
0xa3: {  	[sflag:s23] =	ssyncset.done $0x0  }
0xa4: {  	s25 =	simm.s32 $0x1B8E;
	s24 =	sld [smem:$0x3FFE];
	[sflag:s23] =	ssyncadd.s32 $0xFFFFFFFF  }
0xa5: {  	s26 =	simm.s32 $execute0_lowered;
	[smem:$0x3FD2] =	sst s25  }
0xa6: {  	s5 =	sshll.u32 s26, $0x1;
	_ =	strace $0x80000049;
	[dreg:$0x1] =	wrdreg $0xFFFFFFFF  }
0xa7: {  	s28 =	simm.s32 $_size_execute0_lowered;
	s3 =	sadd.s32 s3, s5;
	[dreg:$0x0] =	wrdreg $0x0  }
0xa8: {  	s5 =	sshll.u32 s28, $0x1;
	[dreg:$0x2] =	wrdreg s3  }
0xa9: {  	[dreg:$0x3] =	wrdreg s5  }
0xaa: {  	[dreg:$0x4] =	wrdreg $0xC0  }
0xab: {  	_ =	task [dreg:s7], $0x5FFFF  }
0xac: {  	[dreg:$0x1] =	wrdreg $0xFFFFFFFF  }
0xad: {  	[dreg:$0x0] =	wrdreg $0x60  }
0xae: {  	[dreg:$0x2] =	wrdreg s2  }
0xaf: {  	[dreg:$0x3] =	wrdreg s24  }
0xb0: {  	[dreg:$0x4] =	wrdreg $0x9  }
0xb1: {  	_ =	task.clear_ibuf [dreg:s7], $0x5FFFF;
	_ =	strace $0x90000049  }
0xb2: {  	s29 =	simm.s32 $0x9;
	_ =	strace $0x8000004B  }
0xb3: {  	_ =	swait.ge [sflag:s29], $0x1  }
0xb4: {  	[sflag:s29] =	ssyncadd.s32 $0xFFFFFFFF  }
0xb5: {  	_ =	strace $0x9000004B  }
0xb6: {  	_ =	sfence  }
0xb7: {  	s30 =	sld [smem:$0x0];
	_ =	sdelay $0x2  }
0xb8: {  	s31 =	sshll.u32 s1, $0xD;
	s1 =	sshrl.u32 s1, $0x2  }
0xb9: {  	s3 =	sand.u32 $0x4000, s31;
	s1 =	sadd.s32 s1, s30  }
0xba: {  	s0 =	sor.u32 s3, s0;
	s1 =	sshll.u32 s1, $0x11  }
0xbb: {  	s0 =	sor.u32 s1, s0  }
0xbc: {  	s0 =	sadd.s32 $0x8F2B, s0  }
0xbd: {  	[sflag:s0] =	ssyncadd.remote.s32 $0x1  }
0xbe: {  	_ =	sfence.sel $0xFFFF  }
0xbf: {  	[dreg:$0x0] =	wrdreg $0xFFFFFFFF;
	(pc) =	sbr.abs _section_cstart, $3  }
0xc0: {  	[dreg:$0x1] =	wrdreg $0xFFFFFFFF  }
0xc1: {  	_ =	task.clear_ibuf [dreg:s7], $0x2FFFF;
	_ =	strace $0x9FFFFFFF  }
0xc2: {  	(tm) =	ssettm $0x7FFFFFFF  }
0xc3: {  	_ =	shalt  }
tec
execute0_lowered:
.L_overlay_start_1:
0x0: {  	(tag) =	ssettag $0x1  }
0x1: {  	s4 =	rddreg [dreg:$0x0]  }
0x2: {  	s6 =	rddreg [dreg:$0x1]  }
0x3: {  	s0 =	rddreg [dreg:$0x2];
	s3 =	srdreg.scid  }
0x4: {  	s1 =	stileid.u32;
	s2 =	simm.s32 $0x0;
	s10 =	simm.s32 $0x980  }
0x5: {  	s11 =	simm.s32 $0x1180;
	s12 =	simm.s32 $0x1980;
	s13 =	simm.s32 $0x2180  }
0x6: {  	s14 =	simm.s32 $0x2980;
	s15 =	simm.s32 $0x3180;
	s16 =	simm.s32 $0x3980  }
0x7: {  	s17 =	simm.s32 $0x4180;
	s18 =	simm.s32 $0x4980;
	s19 =	simm.s32 $0x5180  }
0x8: {  	s20 =	simm.s32 $0x5980;
	s21 =	simm.s32 $0x6180;
	s22 =	simm.s32 $0x6980  }
0x9: {  	s23 =	simm.s32 $0x7180;
	s24 =	simm.s32 $0x7980;
	s25 =	simm.s32 $0x1  }
0xa: {  	v10 =	vlaneseq.u32;
	s3 =	sand.u32 $0x1, s3;
	s5 =	sshll.u32 s1, $0x1;
	[smem:$0x7FF] =	sst s2  }
0xb: {  	v0 =	vmul.u32 $0x2, v10;
	s5 =	sor.u32 s3, s5;
	_ =	strace $0x8000004A;
	s8 =	ssub.s32 $0x2, s3  }
0xc: {  	vm0 =	vmmov $0xffff;
	v9 =	vshrl.u32 v10, $0x3;
	v8 =	vand.u32 $0x7, v10;
	s3 =	sadd.s32 $0x1E00, s6;
	s7 =	sshll.u32 s5, $0x4;
	s9 =	sshrl.u32 s8, $0x1  }
0xd: {  	v10 =	vor.u32 $0x8, v10;
	v9 =	vmul.u32 $0x8, v9;
	s5 =	sshll.u32 s5, $0xC;
	v1 =	vor.u32 $0x1, v0;
	s7 =	sadd.s32 s7, s6;
	s8 =	ssub.s32 s8, s9  }
0xe: {  	v2 =	vor.u32 $0x20, v0;
	v3 =	vor.u32 $0x21, v0;
	v4 =	vor.u32 $0x40, v0;
	s4 =	sadd.s32 s4, s5;
	s6 =	sadd.s32 $0x1F00, s6;
	s9 =	simm.s32 $0x2  }
0xf: {  	v5 =	vor.u32 $0x41, v0;
	v6 =	vor.u32 $0x60, v0;
	v7 =	vor.u32 $0x61, v0;
	s5 =	sadd.s32 $0x1C00, s7;
	s7 =	smax.u32 s8, $0x1;
	s8 =	simm.s32 $0x180  }
.LBB2_1:
0x10: {  	[tilespmem:s8], [sflag:$0x2] =	stream.linear.gather [hbm4b:s4+s2], $0x8000, $0x38;
	[tilespmem:$0x8180] =	vst v63  }
0x11: {  	_ =	swait.ge [sflag:s9], $0x8000  }
0x12: {  	[sflag:s9] =	ssyncset.done $0x0  }
0x13: {  	[sflag:s9] =	ssyncadd.s32 $0xFFFF8000  }
0x14: {  	[tilespmem:s2], [sflag:$0x2] =	stream.linear.gather [hbm4b:s5+s2], $0x80, $0x38;
	[tilespmem:$0x8180] =	vst v63  }
0x15: {  	_ =	swait.ge [sflag:s9], $0x80  }
0x16: {  	[sflag:s9] =	ssyncset.done $0x0  }
0x17: {  	[sflag:s9] =	ssyncadd.s32 $0xFFFFFF80  }
0x18: {  	v11 =	vld.idx.msk [tilespmem:v0+s2+$0x0], $0xffff;
	_ =	sdelay $0x4  }
0x19: {  	[tilespmem:$0x80] =	vst v11  }
0x1a: {  	v11 =	vld.idx.msk [tilespmem:v1+s2+$0x0], $0xffff;
	_ =	sdelay $0x4  }
0x1b: {  	[tilespmem:$0x100] =	vst v11  }
0x1c: {  	v11 =	vld.idx.msk [tilespmem:v2+s2+$0x0], $0xffff;
	_ =	sdelay $0x4  }
0x1d: {  	[tilespmem:$0x90] =	vst v11  }
0x1e: {  	v11 =	vld.idx.msk [tilespmem:v3+s2+$0x0], $0xffff;
	_ =	sdelay $0x4  }
0x1f: {  	[tilespmem:$0x110] =	vst v11  }
0x20: {  	v11 =	vld.idx.msk [tilespmem:v4+s2+$0x0], $0xffff;
	_ =	sdelay $0x4  }
0x21: {  	[tilespmem:$0xA0] =	vst v11  }
0x22: {  	v11 =	vld.idx.msk [tilespmem:v5+s2+$0x0], $0xffff;
	_ =	sdelay $0x2  }
0x23: {  	v12 =	vld [tilespmem:$0x80];
	_ =	sdelay $0x1  }
0x24: {  	[tilespmem:$0x120] =	vst v11  }
0x25: {  	v11 =	vld.idx.msk [tilespmem:v6+s2+$0x0], $0xffff;
	_ =	sdelay $0x1  }
0x26: {  	v13 =	vshll.u32 v12, $0x2  }
0x27: {  	v12 =	vand.u32 $0x7, v12;
	v13 =	vand.u32 $0xFFFFFFE0, v13  }
0x28: {  	v12 =	vor.u32 v12, v13  }
0x29: {  	[tilespmem:$0xB0] =	vst v11;
	v11 =	vperm.xlane v12, v8  }
0x2a: {  	v56 =	vld.idx.msk [tilespmem:v7+s2+$0x0], $0xffff  }
0x2b: {  	v11 =	vadd.s32 v9, v11;
	_ =	sdelay $0x1  }
0x2c: {  	v12 =	vperm.xlane v12, v10;
	_ =	sdelay $0x1  }
0x2d: {  	v12 =	vadd.s32 v9, v12;
	[tilespmem:$0x130] =	vst v56  }
0x2e: {  	[hbm4b:s3+s2] =	stream.indirect_vreg.scatter [tilespmem:s8], [sflag:$0x1], $0x80, v11, vm0, $0xb8;
	[tilespmem:$0x8180] =	vst v63  }
0x2f: {  	_ = 	snop  }
0x30: {  	[hbm4b:s6+s2] =	stream.indirect_vreg.scatter [tilespmem:s10], [sflag:$0x1], $0x80, v11, vm0, $0xb8;
	[tilespmem:$0x8180] =	vst v63  }
0x31: {  	_ = 	snop  }
0x32: {  	[hbm4b:s3+s2] =	stream.indirect_vreg.scatter [tilespmem:s11], [sflag:$0x1], $0x80, v12, vm0, $0xb8;
	[tilespmem:$0x8180] =	vst v63  }
0x33: {  	_ = 	snop  }
0x34: {  	[hbm4b:s6+s2] =	stream.indirect_vreg.scatter [tilespmem:s12], [sflag:$0x1], $0x80, v12, vm0, $0xb8;
	[tilespmem:$0x8180] =	vst v63  }
0x35: {  	v11 =	vld [tilespmem:$0x90];
	_ =	sdelay $0x4  }
0x36: {  	v57 =	vshll.u32 v11, $0x2  }
0x37: {  	v11 =	vand.u32 $0x7, v11;
	v12 =	vand.u32 $0xFFFFFFE0, v57  }
0x38: {  	v11 =	vor.u32 v11, v12  }
0x39: {  	v12 =	vperm.xlane v11, v8;
	_ =	sdelay $0x1  }
0x3a: {  	v12 =	vadd.s32 v9, v12;
	_ =	sdelay $0x1  }
0x3b: {  	v11 =	vperm.xlane v11, v10;
	_ =	sdelay $0x1  }
0x3c: {  	v11 =	vadd.s32 v9, v11  }
0x3d: {  	[hbm4b:s3+s2] =	stream.indirect_vreg.scatter [tilespmem:s13], [sflag:$0x1], $0x80, v12, vm0, $0xb8;
	[tilespmem:$0x8180] =	vst v63  }
0x3e: {  	_ = 	snop  }
0x3f: {  	[hbm4b:s6+s2] =	stream.indirect_vreg.scatter [tilespmem:s14], [sflag:$0x1], $0x80, v12, vm0, $0xb8;
	[tilespmem:$0x8180] =	vst v63  }
0x40: {  	_ = 	snop  }
0x41: {  	[hbm4b:s3+s2] =	stream.indirect_vreg.scatter [tilespmem:s15], [sflag:$0x1], $0x80, v11, vm0, $0xb8;
	[tilespmem:$0x8180] =	vst v63  }
0x42: {  	_ = 	snop  }
0x43: {  	[hbm4b:s6+s2] =	stream.indirect_vreg.scatter [tilespmem:s16], [sflag:$0x1], $0x80, v11, vm0, $0xb8;
	[tilespmem:$0x8180] =	vst v63  }
0x44: {  	v11 =	vld [tilespmem:$0xA0];
	_ =	sdelay $0x4  }
0x45: {  	v58 =	vshll.u32 v11, $0x2  }
0x46: {  	v11 =	vand.u32 $0x7, v11;
	v12 =	vand.u32 $0xFFFFFFE0, v58  }
0x47: {  	v11 =	vor.u32 v11, v12  }
0x48: {  	v12 =	vperm.xlane v11, v8;
	_ =	sdelay $0x1  }
0x49: {  	v12 =	vadd.s32 v9, v12;
	_ =	sdelay $0x1  }
0x4a: {  	v11 =	vperm.xlane v11, v10;
	_ =	sdelay $0x1  }
0x4b: {  	v11 =	vadd.s32 v9, v11  }
0x4c: {  	[hbm4b:s3+s2] =	stream.indirect_vreg.scatter [tilespmem:s17], [sflag:$0x1], $0x80, v12, vm0, $0xb8;
	[tilespmem:$0x8180] =	vst v63  }
0x4d: {  	_ = 	snop  }
0x4e: {  	[hbm4b:s6+s2] =	stream.indirect_vreg.scatter [tilespmem:s18], [sflag:$0x1], $0x80, v12, vm0, $0xb8;
	[tilespmem:$0x8180] =	vst v63  }
0x4f: {  	_ = 	snop  }
0x50: {  	[hbm4b:s3+s2] =	stream.indirect_vreg.scatter [tilespmem:s19], [sflag:$0x1], $0x80, v11, vm0, $0xb8;
	[tilespmem:$0x8180] =	vst v63  }
0x51: {  	_ = 	snop  }
0x52: {  	[hbm4b:s6+s2] =	stream.indirect_vreg.scatter [tilespmem:s20], [sflag:$0x1], $0x80, v11, vm0, $0xb8;
	[tilespmem:$0x8180] =	vst v63  }
0x53: {  	v11 =	vld [tilespmem:$0xB0];
	_ =	sdelay $0x4  }
0x54: {  	v59 =	vshll.u32 v11, $0x2  }
0x55: {  	v11 =	vand.u32 $0x7, v11;
	v12 =	vand.u32 $0xFFFFFFE0, v59  }
0x56: {  	v11 =	vor.u32 v11, v12  }
0x57: {  	v12 =	vperm.xlane v11, v8;
	_ =	sdelay $0x1  }
0x58: {  	v12 =	vadd.s32 v9, v12;
	_ =	sdelay $0x1  }
0x59: {  	v11 =	vperm.xlane v11, v10;
	_ =	sdelay $0x1  }
0x5a: {  	v11 =	vadd.s32 v9, v11  }
0x5b: {  	[hbm4b:s3+s2] =	stream.indirect_vreg.scatter [tilespmem:s21], [sflag:$0x1], $0x80, v12, vm0, $0xb8;
	[tilespmem:$0x8180] =	vst v63  }
0x5c: {  	_ = 	snop  }
0x5d: {  	[hbm4b:s6+s2] =	stream.indirect_vreg.scatter [tilespmem:s22], [sflag:$0x1], $0x80, v12, vm0, $0xb8;
	[tilespmem:$0x8180] =	vst v63  }
0x5e: {  	_ = 	snop  }
0x5f: {  	[hbm4b:s3+s2] =	stream.indirect_vreg.scatter [tilespmem:s23], [sflag:$0x1], $0x80, v11, vm0, $0xb8;
	[tilespmem:$0x8180] =	vst v63  }
0x60: {  	_ = 	snop  }
0x61: {  	[hbm4b:s6+s2] =	stream.indirect_vreg.scatter [tilespmem:s24], [sflag:$0x1], $0x80, v11, vm0, $0xb8;
	[tilespmem:$0x8180] =	vst v63  }
0x62: {  	v11 =	vld [tilespmem:$0x100];
	_ =	sdelay $0x4  }
0x63: {  	v60 =	vshll.u32 v11, $0x2  }
0x64: {  	v11 =	vand.u32 $0x7, v11;
	v12 =	vand.u32 $0xFFFFFFE0, v60  }
0x65: {  	v11 =	vor.u32 v11, v12  }
0x66: {  	v12 =	vperm.xlane v11, v8;
	_ =	sdelay $0x1  }
0x67: {  	v12 =	vadd.s32 v9, v12;
	_ =	sdelay $0x1  }
0x68: {  	v11 =	vperm.xlane v11, v10;
	_ =	sdelay $0x1  }
0x69: {  	v11 =	vadd.s32 v9, v11  }
0x6a: {  	[hbm4b:s3+s2] =	stream.indirect_vreg.scatter [tilespmem:s8], [sflag:$0x1], $0x80, v12, vm0, $0xb8;
	[tilespmem:$0x8180] =	vst v63  }
0x6b: {  	_ = 	snop  }
0x6c: {  	[hbm4b:s6+s2] =	stream.indirect_vreg.scatter [tilespmem:s10], [sflag:$0x1], $0x80, v12, vm0, $0xb8;
	[tilespmem:$0x8180] =	vst v63  }
0x6d: {  	_ = 	snop  }
0x6e: {  	[hbm4b:s3+s2] =	stream.indirect_vreg.scatter [tilespmem:s11], [sflag:$0x1], $0x80, v11, vm0, $0xb8;
	[tilespmem:$0x8180] =	vst v63  }
0x6f: {  	_ = 	snop  }
0x70: {  	[hbm4b:s6+s2] =	stream.indirect_vreg.scatter [tilespmem:s12], [sflag:$0x1], $0x80, v11, vm0, $0xb8;
	[tilespmem:$0x8180] =	vst v63  }
0x71: {  	v11 =	vld [tilespmem:$0x110];
	_ =	sdelay $0x4  }
0x72: {  	v61 =	vshll.u32 v11, $0x2  }
0x73: {  	v11 =	vand.u32 $0x7, v11;
	v12 =	vand.u32 $0xFFFFFFE0, v61  }
0x74: {  	v11 =	vor.u32 v11, v12  }
0x75: {  	v12 =	vperm.xlane v11, v8;
	_ =	sdelay $0x1  }
0x76: {  	v12 =	vadd.s32 v9, v12;
	_ =	sdelay $0x1  }
0x77: {  	v11 =	vperm.xlane v11, v10;
	_ =	sdelay $0x1  }
0x78: {  	v11 =	vadd.s32 v9, v11  }
0x79: {  	[hbm4b:s3+s2] =	stream.indirect_vreg.scatter [tilespmem:s13], [sflag:$0x1], $0x80, v12, vm0, $0xb8;
	[tilespmem:$0x8180] =	vst v63  }
0x7a: {  	_ = 	snop  }
0x7b: {  	[hbm4b:s6+s2] =	stream.indirect_vreg.scatter [tilespmem:s14], [sflag:$0x1], $0x80, v12, vm0, $0xb8;
	[tilespmem:$0x8180] =	vst v63  }
0x7c: {  	_ = 	snop  }
0x7d: {  	[hbm4b:s3+s2] =	stream.indirect_vreg.scatter [tilespmem:s15], [sflag:$0x1], $0x80, v11, vm0, $0xb8;
	[tilespmem:$0x8180] =	vst v63  }
0x7e: {  	_ = 	snop  }
0x7f: {  	[hbm4b:s6+s2] =	stream.indirect_vreg.scatter [tilespmem:s16], [sflag:$0x1], $0x80, v11, vm0, $0xb8;
	[tilespmem:$0x8180] =	vst v63  }
0x80: {  	v11 =	vld [tilespmem:$0x120];
	_ =	sdelay $0x4  }
0x81: {  	v62 =	vshll.u32 v11, $0x2  }
0x82: {  	v11 =	vand.u32 $0x7, v11;
	v12 =	vand.u32 $0xFFFFFFE0, v62  }
0x83: {  	v11 =	vor.u32 v11, v12  }
0x84: {  	v12 =	vperm.xlane v11, v8;
	_ =	sdelay $0x1  }
0x85: {  	v12 =	vadd.s32 v9, v12;
	_ =	sdelay $0x1  }
0x86: {  	v11 =	vperm.xlane v11, v10;
	_ =	sdelay $0x1  }
0x87: {  	v11 =	vadd.s32 v9, v11  }
0x88: {  	[hbm4b:s3+s2] =	stream.indirect_vreg.scatter [tilespmem:s17], [sflag:$0x1], $0x80, v12, vm0, $0xb8;
	[tilespmem:$0x8180] =	vst v63  }
0x89: {  	_ = 	snop  }
0x8a: {  	[hbm4b:s6+s2] =	stream.indirect_vreg.scatter [tilespmem:s18], [sflag:$0x1], $0x80, v12, vm0, $0xb8;
	[tilespmem:$0x8180] =	vst v63  }
0x8b: {  	_ = 	snop  }
0x8c: {  	[hbm4b:s3+s2] =	stream.indirect_vreg.scatter [tilespmem:s19], [sflag:$0x1], $0x80, v11, vm0, $0xb8;
	[tilespmem:$0x8180] =	vst v63  }
0x8d: {  	_ = 	snop  }
0x8e: {  	[hbm4b:s6+s2] =	stream.indirect_vreg.scatter [tilespmem:s20], [sflag:$0x1], $0x80, v11, vm0, $0xb8;
	[tilespmem:$0x8180] =	vst v63  }
0x8f: {  	v11 =	vld [tilespmem:$0x130];
	_ =	sdelay $0x4  }
0x90: {  	v63 =	vshll.u32 v11, $0x2  }
0x91: {  	v11 =	vand.u32 $0x7, v11;
	v12 =	vand.u32 $0xFFFFFFE0, v63  }
0x92: {  	v11 =	vor.u32 v11, v12  }
0x93: {  	v12 =	vperm.xlane v11, v8;
	_ =	sdelay $0x1  }
0x94: {  	v12 =	vadd.s32 v9, v12;
	_ =	sdelay $0x1  }
0x95: {  	v11 =	vperm.xlane v11, v10;
	_ =	sdelay $0x1  }
0x96: {  	v11 =	vadd.s32 v9, v11  }
0x97: {  	[hbm4b:s3+s2] =	stream.indirect_vreg.scatter [tilespmem:s21], [sflag:$0x1], $0x80, v12, vm0, $0xb8;
	[tilespmem:$0x8180] =	vst v63  }
0x98: {  	_ = 	snop  }
0x99: {  	[hbm4b:s6+s2] =	stream.indirect_vreg.scatter [tilespmem:s22], [sflag:$0x1], $0x80, v12, vm0, $0xb8;
	[tilespmem:$0x8180] =	vst v63  }
0x9a: {  	_ = 	snop  }
0x9b: {  	[hbm4b:s3+s2] =	stream.indirect_vreg.scatter [tilespmem:s23], [sflag:$0x1], $0x80, v11, vm0, $0xb8;
	[tilespmem:$0x8180] =	vst v63  }
0x9c: {  	_ = 	snop  }
0x9d: {  	[hbm4b:s6+s2] =	stream.indirect_vreg.scatter [tilespmem:s24], [sflag:$0x1], $0x80, v11, vm0, $0xb8;
	[tilespmem:$0x8180] =	vst v63  }
0x9e: {  	p0 =	sne.s32 s7, $0x1;
	_ =	swait.ge [sflag:s25], $0x8000  }
.Ltmp0:
0x9f: {  	[sflag:s25] =	ssyncset.done $0x0;
	(pc) =	sbr.rel @p0 .LBB2_1-.Ltmp0, $4  }
0xa0: {  	[sflag:s25] =	ssyncadd.s32 $0xFFFF8000  }
0xa1: {  	_ =	swait.ge [sflag:s25], $0x8000  }
0xa2: {  	[sflag:s25] =	ssyncset.done $0x0  }
0xa3: {  	s7 =	sadd.s32 $0xFFFFFFFF, s7;
	[sflag:s25] =	ssyncadd.s32 $0xFFFF8000  }
0xa4: {  	_ =	sfence.sel $0x180000  }
0xa5: {  	[bflag:$0x0] =	sbarrier.arrive $0xFFFF  }
0xa6: {  	p0 =	sne.s32 s1, $0x0;
	_ =	strace $0x9000004A  }
0xa7: {  	s0 =	sadd.s32 @!p0 $0x100000, s0;
	[bflag:$0x2] =	sbarrier.arrive $0xFFFF  }
0xa8: {  	[sflag:s0] =	ssyncadd.tile.s32 @!p0 $0x1;
	_ =	shalt  }
.Lfunc_end2:
_tile_overlayer_lowered:
.L_overlay_start_2:
0xa9: {  	(tag) =	ssettag $0x2  }
0xaa: {  	s0 =	rddreg [dreg:$0x0];
	s2 =	stileid.u32  }
0xab: {  	s1 =	rddreg [dreg:$0x1];
	p0 =	sne.s32 s2, $0x0  }
0xac: {  	s3 =	rddreg [dreg:$0x2];
	[bflag:$0x3] =	sbarrier.arrive $0xFFFF;
	s2 =	simm.s32 @!p0 $0x1C02  }
0xad: {  	[timem:s3], [sflag:s2] =	dma.local @!p0 [hbm:s0], s1  }
0xae: {  	s0 =	simm.s32 @!p0 $0x2  }
0xaf: {  	_ =	swait.ge @!p0 [sflag:s0], s1  }
0xb0: {  	s1 =	ssub.s32 @!p0 $0x0, s1;
	[sflag:s0] =	ssyncset.done @!p0 $0x0  }
0xb1: {  	[sflag:s0] =	ssyncadd.s32 @!p0 s1  }
0xb2: {  	[bflag:$0x3] =	sbarrier.arrive $0xFFFF  }
0xb3: {  	_ =	shalt  }

// kernel: kernel.14.cloned.1.call-start
scs
__scs_entry_jumppad:
0x0: {  	(pc) =	sbr.rel $0x88, $3  }
0x1: {  	(tag) =	ssettag $0x0;
	lr =	simm.s32 $0x1  }
0x2: {  	[smem:$0x3F9D] =	sst lr;
	_ =	strace $0xD0000000  }
0x3: {  	_ = 	snop  }
0x4: {  	_ = 	snop  }
0x5: {  	_ = 	snop  }
0x6: {  	_ = 	snop  }
0x7: {  	_ = 	snop  }
__scs_overlays_trampoline_lowered:
0x8: {  	[smem:$0x3FAC] =	sst s0  }
0x9: {  	[smem:$0x3FAD] =	sst s1  }
0xa: {  	[smem:$0x3FAE] =	sst s2  }
0xb: {  	[smem:$0x3FAF] =	sst s3  }
0xc: {  	[smem:$0x3FB0] =	sst s4  }
0xd: {  	[smem:$0x3FB1] =	sst s5  }
0xe: {  	[smem:$0x3FB2] =	sst s6  }
0xf: {  	[smem:$0x3FB3] =	sst s7  }
0x10: {  	[smem:$0x3FB4] =	sst s8  }
0x11: {  	[smem:$0x3FB5] =	sst s9;
	s0 =	simm.s32 @!p0 $0x0  }
0x12: {  	s1 =	sld [smem:$0x3F9B];
	s0 =	simm.s32 @p0 $0x1  }
0x13: {  	[smem:$0x3FB6] =	sst s0;
	s0 =	simm.s32 @!p1 $0x0  }
0x14: {  	s2 =	sld [smem:$0x3F9A];
	s0 =	simm.s32 @p1 $0x1  }
0x15: {  	[smem:$0x3FB7] =	sst s0;
	s0 =	simm.s32 @!p2 $0x0  }
0x16: {  	s3 =	sld [smem:$0x3FDB];
	s0 =	simm.s32 @p2 $0x1  }
0x17: {  	s4 =	simm.s32 $0x1BF5;
	[smem:$0x3FB9] =	sst s0  }
0x18: {  	s0 =	sld [smem:$0x3F9C];
	_ =	swait.ge [sflag:s4], $0x0  }
0x19: {  	s7 =	sld [smem:$0x3F9D]  }
0x1a: {  	s8 =	sadd.s32 $0xFFFFE003, lr  }
0x1b: {  	s9 =	sadd.s32 $0xFFFFFEF7, lr;
	s5 =	simm.s32 $0xFFFFFFFF;
	p2 =	slt.u32 s8, $0xFFFFF086  }
0x1c: {  	p1 =	slt.u32 s9, $0xF7A;
	s5 =	simm.s32 @!p2 $0x0  }
0x1d: {  	s5 =	simm.s32 @p1 $0x1;
	p0 =	seq.s32 s7, s2  }
0x1e: {  	s7 =	smul.u32 @!p0 $0xF7A, s2;
	p2 =	seq.s32 @!p0 s5, $0x0  }
0x1f: {  	s9 =	smul.u32 $0xF7A, s1;
	s8 =	simm.s32 @!p0 $0x1BF5;
	p2 =	por !p2, p0  }
0x20: {  	[sflag:s8] =	ssyncset.s32 @!p0 $0xFFFFF086;
	s6 =	sadd.s32 @!p0 s3, s7;
	s7 =	simm.s32 @!p0 $0x108  }
0x21: {  	s3 =	sadd.s32 s3, s9;
	s6 =	sadd.s32 @!p0 $0x88, s6;
	s7 =	simm.s32 @p2 $0x1082  }
0x22: {  	[simem:s7], [sflag:s8] =	dma.local @!p0 [hbm:s6], $0xF7A  }
0x23: {  	s9 =	sor.u32 $0xD0000000, s2;
	s6 =	simm.s32 $0x108;
	_ =	swait.ge @!p0 [sflag:s8], $0x0  }
0x24: {  	s3 =	sadd.s32 $0x88, s3;
	s6 =	simm.s32 @!p1 $0x1082;
	[sflag:s4] =	ssyncset.s32 $0xFFFFF086  }
0x25: {  	[simem:s6], [sflag:s4] =	dma.local [hbm:s3], $0xF7A  }
0x26: {  	[smem:$0x3F9D] =	sst s1;
	(tag) =	ssettag s2;
	_ =	strace s9  }
0x27: {  	s1 =	sld [smem:$0x3FAD]  }
0x28: {  	s2 =	sld [smem:$0x3FAE]  }
0x29: {  	s4 =	sld [smem:$0x3FB0]  }
0x2a: {  	p0 =	seq.s32 s5, $0x0;
	s5 =	sld [smem:$0x3FB1]  }
0x2b: {  	s6 =	sld [smem:$0x3FB2]  }
0x2c: {  	s7 =	sld [smem:$0x3FB3]  }
0x2d: {  	s3 =	simm.s32 $0x108;
	s8 =	sld [smem:$0x3FB4]  }
0x2e: {  	s3 =	simm.s32 @!p0 $0x1082;
	s9 =	sld [smem:$0x3FB5]  }
0x2f: {  	lr =	sadd.s32 s0, s3;
	s0 =	sld [smem:$0x3FAC]  }
0x30: {  	s3 =	sld [smem:$0x3FAF]  }
0x31: {  	[smem:$0x3FB8] =	sst s10  }
0x32: {  	s10 =	sld [smem:$0x3FB6];
	_ =	sdelay $0x3  }
0x33: {  	p0 =	seq.s32 s10, $0x1;
	s10 =	sld [smem:$0x3FB8];
	_ =	sdelay $0x3  }
0x34: {  	[smem:$0x3FB8] =	sst s10  }
0x35: {  	s10 =	sld [smem:$0x3FB7];
	_ =	sdelay $0x3  }
0x36: {  	p1 =	seq.s32 s10, $0x1;
	s10 =	sld [smem:$0x3FB8];
	_ =	sdelay $0x3  }
0x37: {  	[smem:$0x3FB8] =	sst s10  }
0x38: {  	s10 =	sld [smem:$0x3FB9]  }
0x39: {  	_ = 	snop;
	(pc) =	sbr.ind lr, $3  }
0x3a: {  	_ = 	snop  }
0x3b: {  	_ = 	snop  }
0x3c: {  	p2 =	seq.s32 s10, $0x1;
	s10 =	sld [smem:$0x3FB8]  }
0x3d: {  	_ =	shalt  }
0x3e: {  	_ =	shalt  }
0x3f: {  	_ =	shalt  }
0x40: {  	_ =	shalt  }
0x41: {  	_ =	shalt  }
0x42: {  	_ =	shalt  }
0x43: {  	_ =	shalt  }
0x44: {  	_ =	shalt  }
0x45: {  	_ =	shalt  }
0x46: {  	_ =	shalt  }
0x47: {  	_ =	shalt  }
0x48: {  	_ =	shalt  }
0x49: {  	_ =	shalt  }
0x4a: {  	_ =	shalt  }
0x4b: {  	_ =	shalt  }
0x4c: {  	_ =	shalt  }
0x4d: {  	_ =	shalt  }
0x4e: {  	_ =	shalt  }
0x4f: {  	_ =	shalt  }
0x50: {  	_ =	shalt  }
0x51: {  	_ =	shalt  }
0x52: {  	_ =	shalt  }
0x53: {  	_ =	shalt  }
0x54: {  	_ =	shalt  }
0x55: {  	_ =	shalt  }
0x56: {  	_ =	shalt  }
0x57: {  	_ =	shalt  }
0x58: {  	_ =	shalt  }
0x59: {  	_ =	shalt  }
0x5a: {  	_ =	shalt  }
0x5b: {  	_ =	shalt  }
0x5c: {  	_ =	shalt  }
0x5d: {  	_ =	shalt  }
0x5e: {  	_ =	shalt  }
0x5f: {  	_ =	shalt  }
0x60: {  	_ =	shalt  }
0x61: {  	_ =	shalt  }
0x62: {  	_ =	shalt  }
0x63: {  	_ =	shalt  }
0x64: {  	_ =	shalt  }
0x65: {  	_ =	shalt  }
0x66: {  	_ =	shalt  }
0x67: {  	_ =	shalt  }
0x68: {  	_ =	shalt  }
0x69: {  	_ =	shalt  }
0x6a: {  	_ =	shalt  }
0x6b: {  	_ =	shalt  }
0x6c: {  	_ =	shalt  }
0x6d: {  	_ =	shalt  }
0x6e: {  	_ =	shalt  }
0x6f: {  	_ =	shalt  }
0x70: {  	_ =	shalt  }
0x71: {  	_ =	shalt  }
0x72: {  	_ =	shalt  }
0x73: {  	_ =	shalt  }
0x74: {  	_ =	shalt  }
0x75: {  	_ =	shalt  }
0x76: {  	_ =	shalt  }
0x77: {  	_ =	shalt  }
0x78: {  	_ =	shalt  }
0x79: {  	_ =	shalt  }
0x7a: {  	_ =	shalt  }
0x7b: {  	_ =	shalt  }
0x7c: {  	_ =	shalt  }
0x7d: {  	_ =	shalt  }
0x7e: {  	_ =	shalt  }
0x7f: {  	_ =	shalt  }
0x80: {  	_ =	shalt  }
0x81: {  	_ =	shalt  }
0x82: {  	_ =	shalt  }
0x83: {  	_ =	shalt  }
0x84: {  	_ =	shalt  }
0x85: {  	_ =	shalt  }
0x86: {  	_ =	shalt  }
0x87: {  	_ =	shalt  }
.Lfunc_end0:
.L_simem_size_0:
called_computation.2_lowered:
.L_overlay_start_0:
0x88: {  	s2 =	sld [smem:$0x3FD9]  }
0x89: {  	s3 =	sld [smem:$0x3FFE];
	_ =	sdelay $0x1  }
0x8a: {  	s1 =	srdreg.scid  }
0x8b: {  	s0 =	sand.u32 $0x1, s1  }
0x8c: {  	s17 =	sshll.u32 s0, $0xA;
	s2 =	sadd.s32 s3, s2  }
0x8d: {  	s2 =	sadd.s32 s2, s17  }
0x8e: {  	[smem:$0x3FC4] =	sst s2  }
0x8f: {  	_ = 	snop  }
0x90: {  	s2 =	sld [smem:$0x3FD0];
	(tm) =	ssettm $0x1  }
0x91: {  	s18 =	sld [smem:$0x3FFB];
	_ =	sdelay $0x3  }
0x92: {  	_ =	strace s18  }
0x93: {  	s3 =	sld [smem:$0x3FFC];
	_ =	sdelay $0x3  }
0x94: {  	_ =	strace s3  }
0x95: {  	s3 =	sld [smem:$0x3FFD];
	_ =	sdelay $0x3  }
0x96: {  	_ =	strace s3  }
0x97: {  	_ =	strace $0x8FFFFFFF  }
0x98: {  	s19 =	sld [smem:$0x3FDB];
	_ =	sdelay $0x1  }
0x99: {  	s4 =	simm.s32 $_scs_section_size  }
0x9a: {  	s5 =	simm.s32 $_size__tile_overlayer_lowered;
	s6 =	simm.s32 $_tile_overlayer_lowered  }
0x9b: {  	s22 =	simm.s32 $0x1BFF;
	s21 =	sshll.u32 s6, $0x1;
	s3 =	sadd.s32 s4, s19  }
0x9c: {  	s7 =	simm.s32 $0x0;
	s20 =	sshll.u32 s5, $0x1;
	s5 =	sadd.s32 s21, s3  }
0x9d: {  	[timem:s7], [sflag:s22] =	dma.local [hbm:s5], s20  }
0x9e: {  	_ =	swait.ge [sflag:s22], s20  }
0x9f: {  	s4 =	ssub.s32 $0x0, s20;
	[sflag:s22] =	ssyncset.done $0x0  }
0xa0: {  	[sflag:s22] =	ssyncadd.s32 s4;
	_ =	sdelay $0x1  }
0xa1: {  	s23 =	simm.s32 $0x1B8B  }
0xa2: {  	_ =	swait.ge [sflag:s23], $0x1  }
0xa3: {  	[sflag:s23] =	ssyncset.done $0x0  }
0xa4: {  	s25 =	simm.s32 $0x1B8E;
	s24 =	sld [smem:$0x3FFE];
	[sflag:s23] =	ssyncadd.s32 $0xFFFFFFFF  }
0xa5: {  	s26 =	simm.s32 $execute0_lowered;
	[smem:$0x3FD2] =	sst s25  }
0xa6: {  	s5 =	sshll.u32 s26, $0x1;
	_ =	strace $0x8000004C;
	[dreg:$0x1] =	wrdreg $0xFFFFFFFF  }
0xa7: {  	s28 =	simm.s32 $_size_execute0_lowered;
	s3 =	sadd.s32 s3, s5;
	[dreg:$0x0] =	wrdreg $0x0  }
0xa8: {  	s5 =	sshll.u32 s28, $0x1;
	[dreg:$0x2] =	wrdreg s3  }
0xa9: {  	[dreg:$0x3] =	wrdreg s5  }
0xaa: {  	[dreg:$0x4] =	wrdreg $0xC0  }
0xab: {  	_ =	task [dreg:s7], $0x5FFFF  }
0xac: {  	[dreg:$0x1] =	wrdreg $0xFFFFFFFF  }
0xad: {  	[dreg:$0x0] =	wrdreg $0x60  }
0xae: {  	[dreg:$0x2] =	wrdreg s24  }
0xaf: {  	[dreg:$0x3] =	wrdreg s2  }
0xb0: {  	[dreg:$0x4] =	wrdreg $0x9  }
0xb1: {  	_ =	task.clear_ibuf [dreg:s7], $0x5FFFF;
	_ =	strace $0x9000004C  }
0xb2: {  	s29 =	simm.s32 $0x9;
	_ =	strace $0x8000004E  }
0xb3: {  	_ =	swait.ge [sflag:s29], $0x1  }
0xb4: {  	[sflag:s29] =	ssyncadd.s32 $0xFFFFFFFF  }
0xb5: {  	_ =	strace $0x9000004E  }
0xb6: {  	_ =	sfence  }
0xb7: {  	s30 =	sld [smem:$0x0];
	_ =	sdelay $0x2  }
0xb8: {  	s31 =	sshll.u32 s1, $0xD;
	s1 =	sshrl.u32 s1, $0x2  }
0xb9: {  	s3 =	sand.u32 $0x4000, s31;
	s1 =	sadd.s32 s1, s30  }
0xba: {  	s0 =	sor.u32 s3, s0;
	s1 =	sshll.u32 s1, $0x11  }
0xbb: {  	s0 =	sor.u32 s1, s0  }
0xbc: {  	s0 =	sadd.s32 $0x8F2B, s0  }
0xbd: {  	[sflag:s0] =	ssyncadd.remote.s32 $0x1  }
0xbe: {  	_ =	sfence.sel $0xFFFF  }
0xbf: {  	[dreg:$0x0] =	wrdreg $0xFFFFFFFF;
	(pc) =	sbr.abs _section_cstart, $3  }
0xc0: {  	[dreg:$0x1] =	wrdreg $0xFFFFFFFF  }
0xc1: {  	_ =	task.clear_ibuf [dreg:s7], $0x2FFFF;
	_ =	strace $0x9FFFFFFF  }
0xc2: {  	(tm) =	ssettm $0x7FFFFFFF  }
0xc3: {  	_ =	shalt  }
tec
execute0_lowered:
.L_overlay_start_1:
0x0: {  	(tag) =	ssettag $0x1  }
0x1: {  	s0 =	rddreg [dreg:$0x0]  }
0x2: {  	s2 =	rddreg [dreg:$0x1];
	s1 =	simm.s32 $0x0;
	s4 =	srdreg.scid  }
0x3: {  	s7 =	stileid.u32;
	s14 =	simm.s32 $0x2;
	s15 =	simm.s32 $0x80  }
0x4: {  	s18 =	simm.s32 $0x100;
	s12 =	simm.s32 $0xC900;
	s19 =	simm.s32 $0xD100  }
0x5: {  	s13 =	simm.s32 $0xD900;
	s20 =	simm.s32 $0xE100;
	s21 =	simm.s32 $0xE900  }
0x6: {  	s22 =	simm.s32 $0xF100;
	[smem:$0x7FF] =	sst s1;
	s3 =	sadd.s32 $0x52000, s0  }
0x7: {  	s4 =	sand.u32 $0x1, s4;
	s5 =	sadd.s32 $0x1C00, s0;
	s7 =	sshll.u32 s7, $0x1  }
0x8: {  	s9 =	sadd.s32 $0x51E00, s0;
	_ =	strace $0x8000004D;
	s6 =	ssub.s32 $0x2, s4  }
0x9: {  	s4 =	sor.u32 s4, s7;
	s7 =	sadd.s32 $0x52200, s0;
	s8 =	sshrl.u32 s6, $0x1  }
0xa: {  	s23 =	sshll.u32 s4, $0x6;
	s24 =	sshll.u32 s4, $0x4;
	s4 =	sshll.u32 s4, $0xD  }
0xb: {  	s10 =	ssub.s32 s6, s8;
	s25 =	sadd.s32 s5, s24;
	s6 =	sadd.s32 s9, s24  }
0xc: {  	s11 =	sor.u32 $0x20, s23;
	s8 =	sadd.s32 $0x52300, s0;
	[dreg:$0x3] =	wrdreg s25  }
0xd: {  	s26 =	sadd.s32 s2, s4;
	s23 =	simm.s32 $0xF900;
	[dreg:$0x4] =	wrdreg s6  }
0xe: {  	[dreg:$0x5] =	wrdreg s26;
	s28 =	sshrl.u32 s11, $0x2;
	s31 =	smax.u32 s10, $0x1  }
0xf: {  	s6 =	sadd.s32 $0x52100, s0;
	s29 =	sadd.s32 s5, s28;
	[dreg:$0x9] =	wrdreg s31  }
0x10: {  	v2 =	vlaneseq.u32;
	s30 =	sshll.u32 s11, $0x7;
	s0 =	sadd.s32 s9, s28;
	[dreg:$0x6] =	wrdreg s29  }
0x11: {  	vm0 =	vmmov $0xffff;
	v1 =	vshrl.u32 v2, $0x3;
	s24 =	simm.s32 $0x1;
	[dreg:$0x7] =	wrdreg s0;
	s0 =	sadd.s32 s2, s30  }
0x12: {  	v0 =	vand.u32 $0x7, v2;
	v2 =	vor.u32 $0x8, v2;
	v1 =	vmul.u32 $0x8, v1;
	s25 =	simm.s32 $0x10100;
	s26 =	simm.s32 $0x0;
	[dreg:$0x8] =	wrdreg s0  }
.LBB2_1:
0x13: {  	s0 =	rddreg [dreg:$0x3]  }
0x14: {  	[tilespmem:s1], [sflag:$0x2] =	stream.linear.gather [hbm4b:s0+s1], $0x40, $0x38;
	[tilespmem:$0x18100] =	vst v63  }
0x15: {  	_ =	swait.ge [sflag:s14], $0x40  }
0x16: {  	[sflag:s14] =	ssyncset.done $0x0  }
0x17: {  	s29 =	rddreg [dreg:$0x4];
	[sflag:s14] =	ssyncadd.s32 $0xFFFFFFC0  }
0x18: {  	[tilespmem:s15], [sflag:$0x2] =	stream.linear.gather [hbm4b:s29+s1], $0x40, $0x38;
	[tilespmem:$0x18100] =	vst v63  }
0x19: {  	_ =	swait.ge [sflag:s14], $0x40  }
0x1a: {  	[sflag:s14] =	ssyncset.done $0x0  }
0x1b: {  	[sflag:s14] =	ssyncadd.s32 $0xFFFFFFC0  }
0x1c: {  	v3 =	vld [tilespmem:$0x0];
	_ =	sdelay $0x4  }
0x1d: {  	v4 =	vshll.u32 v3, $0x3  }
0x1e: {  	v3 =	vand.u32 $0x7, v3;
	v4 =	vand.u32 $0xFFFFFFC0, v4  }
0x1f: {  	v3 =	vor.u32 v3, v4  }
0x20: {  	v4 =	vperm.xlane v3, v0;
	_ =	sdelay $0x1  }
0x21: {  	v4 =	vadd.s32 v1, v4;
	_ =	sdelay $0x4  }
0x22: {  	[tilespmem:s18], [sflag:$0x1] =	stream.indirect_vreg.gather [hbm4b:s3+s1], $0x80, v4, vm0, $0xb8;
	[tilespmem:$0x18100] =	vst v63  }
0x23: {  	s30 =	simm.s32 $0x900;
	v3 =	vperm.xlane v3, v2  }
0x24: {  	[tilespmem:s30], [sflag:$0x1] =	stream.indirect_vreg.gather [hbm4b:s6+s1], $0x80, v4, vm0, $0xb8;
	[tilespmem:$0x18100] =	vst v63  }
0x25: {  	s31 =	simm.s32 $0x1100;
	v3 =	vadd.s32 v1, v3  }
0x26: {  	[tilespmem:s31], [sflag:$0x1] =	stream.indirect_vreg.gather [hbm4b:s7+s1], $0x80, v4, vm0, $0xb8;
	[tilespmem:$0x18100] =	vst v63  }
0x27: {  	s2 =	simm.s32 $0x1900  }
0x28: {  	[tilespmem:s2], [sflag:$0x1] =	stream.indirect_vreg.gather [hbm4b:s8+s1], $0x80, v4, vm0, $0xb8;
	[tilespmem:$0x18100] =	vst v63  }
0x29: {  	s4 =	simm.s32 $0x2100  }
0x2a: {  	[tilespmem:s4], [sflag:$0x1] =	stream.indirect_vreg.gather [hbm4b:s3+s1], $0x80, v3, vm0, $0xb8;
	[tilespmem:$0x18100] =	vst v63  }
0x2b: {  	s5 =	simm.s32 $0x2900  }
0x2c: {  	[tilespmem:s5], [sflag:$0x1] =	stream.indirect_vreg.gather [hbm4b:s6+s1], $0x80, v3, vm0, $0xb8;
	[tilespmem:$0x18100] =	vst v63  }
0x2d: {  	s9 =	simm.s32 $0x3100  }
0x2e: {  	[tilespmem:s9], [sflag:$0x1] =	stream.indirect_vreg.gather [hbm4b:s7+s1], $0x80, v3, vm0, $0xb8;
	[tilespmem:$0x18100] =	vst v63  }
0x2f: {  	s10 =	simm.s32 $0x3900  }
0x30: {  	[tilespmem:s10], [sflag:$0x1] =	stream.indirect_vreg.gather [hbm4b:s8+s1], $0x80, v3, vm0, $0xb8;
	[tilespmem:$0x18100] =	vst v63  }
0x31: {  	v3 =	vld [tilespmem:$0x10];
	_ =	sdelay $0x4  }
0x32: {  	v61 =	vshll.u32 v3, $0x3  }
0x33: {  	v3 =	vand.u32 $0x7, v3;
	v4 =	vand.u32 $0xFFFFFFC0, v61  }
0x34: {  	v3 =	vor.u32 v3, v4  }
0x35: {  	v4 =	vperm.xlane v3, v0;
	_ =	sdelay $0x1  }
0x36: {  	v4 =	vadd.s32 v1, v4;
	_ =	sdelay $0x3  }
0x37: {  	s11 =	simm.s32 $0x4100  }
0x38: {  	[tilespmem:s11], [sflag:$0x1] =	stream.indirect_vreg.gather [hbm4b:s3+s1], $0x80, v4, vm0, $0xb8;
	[tilespmem:$0x18100] =	vst v63  }
0x39: {  	s16 =	simm.s32 $0x4900;
	v3 =	vperm.xlane v3, v2  }
0x3a: {  	[tilespmem:s16], [sflag:$0x1] =	stream.indirect_vreg.gather [hbm4b:s6+s1], $0x80, v4, vm0, $0xb8;
	[tilespmem:$0x18100] =	vst v63  }
0x3b: {  	s17 =	simm.s32 $0x5100;
	v3 =	vadd.s32 v1, v3  }
0x3c: {  	[tilespmem:s17], [sflag:$0x1] =	stream.indirect_vreg.gather [hbm4b:s7+s1], $0x80, v4, vm0, $0xb8;
	[tilespmem:$0x18100] =	vst v63  }
0x3d: {  	s29 =	simm.s32 $0x5900  }
0x3e: {  	[tilespmem:s29], [sflag:$0x1] =	stream.indirect_vreg.gather [hbm4b:s8+s1], $0x80, v4, vm0, $0xb8;
	[tilespmem:$0x18100] =	vst v63  }
0x3f: {  	s30 =	simm.s32 $0x6100  }
0x40: {  	[tilespmem:s30], [sflag:$0x1] =	stream.indirect_vreg.gather [hbm4b:s3+s1], $0x80, v3, vm0, $0xb8;
	[tilespmem:$0x18100] =	vst v63  }
0x41: {  	s31 =	simm.s32 $0x6900  }
0x42: {  	[tilespmem:s31], [sflag:$0x1] =	stream.indirect_vreg.gather [hbm4b:s6+s1], $0x80, v3, vm0, $0xb8;
	[tilespmem:$0x18100] =	vst v63  }
0x43: {  	s2 =	simm.s32 $0x7100  }
0x44: {  	[tilespmem:s2], [sflag:$0x1] =	stream.indirect_vreg.gather [hbm4b:s7+s1], $0x80, v3, vm0, $0xb8;
	[tilespmem:$0x18100] =	vst v63  }
0x45: {  	s4 =	simm.s32 $0x7900  }
0x46: {  	[tilespmem:s4], [sflag:$0x1] =	stream.indirect_vreg.gather [hbm4b:s8+s1], $0x80, v3, vm0, $0xb8;
	[tilespmem:$0x18100] =	vst v63  }
0x47: {  	v3 =	vld [tilespmem:$0x20];
	_ =	sdelay $0x4  }
0x48: {  	v62 =	vshll.u32 v3, $0x3  }
0x49: {  	v3 =	vand.u32 $0x7, v3;
	v4 =	vand.u32 $0xFFFFFFC0, v62  }
0x4a: {  	v3 =	vor.u32 v3, v4  }
0x4b: {  	v4 =	vperm.xlane v3, v0;
	_ =	sdelay $0x1  }
0x4c: {  	v4 =	vadd.s32 v1, v4;
	_ =	sdelay $0x3  }
0x4d: {  	s5 =	simm.s32 $0x8100  }
0x4e: {  	[tilespmem:s5], [sflag:$0x1] =	stream.indirect_vreg.gather [hbm4b:s3+s1], $0x80, v4, vm0, $0xb8;
	[tilespmem:$0x18100] =	vst v63  }
0x4f: {  	s9 =	simm.s32 $0x8900;
	v3 =	vperm.xlane v3, v2  }
0x50: {  	[tilespmem:s9], [sflag:$0x1] =	stream.indirect_vreg.gather [hbm4b:s6+s1], $0x80, v4, vm0, $0xb8;
	[tilespmem:$0x18100] =	vst v63  }
0x51: {  	s10 =	simm.s32 $0x9100;
	v3 =	vadd.s32 v1, v3  }
0x52: {  	[tilespmem:s10], [sflag:$0x1] =	stream.indirect_vreg.gather [hbm4b:s7+s1], $0x80, v4, vm0, $0xb8;
	[tilespmem:$0x18100] =	vst v63  }
0x53: {  	s11 =	simm.s32 $0x9900  }
0x54: {  	[tilespmem:s11], [sflag:$0x1] =	stream.indirect_vreg.gather [hbm4b:s8+s1], $0x80, v4, vm0, $0xb8;
	[tilespmem:$0x18100] =	vst v63  }
0x55: {  	s16 =	simm.s32 $0xA100  }
0x56: {  	[tilespmem:s16], [sflag:$0x1] =	stream.indirect_vreg.gather [hbm4b:s3+s1], $0x80, v3, vm0, $0xb8;
	[tilespmem:$0x18100] =	vst v63  }
0x57: {  	s17 =	simm.s32 $0xA900  }
0x58: {  	[tilespmem:s17], [sflag:$0x1] =	stream.indirect_vreg.gather [hbm4b:s6+s1], $0x80, v3, vm0, $0xb8;
	[tilespmem:$0x18100] =	vst v63  }
0x59: {  	s29 =	simm.s32 $0xB100  }
0x5a: {  	[tilespmem:s29], [sflag:$0x1] =	stream.indirect_vreg.gather [hbm4b:s7+s1], $0x80, v3, vm0, $0xb8;
	[tilespmem:$0x18100] =	vst v63  }
0x5b: {  	s30 =	simm.s32 $0xB900  }
0x5c: {  	[tilespmem:s30], [sflag:$0x1] =	stream.indirect_vreg.gather [hbm4b:s8+s1], $0x80, v3, vm0, $0xb8;
	[tilespmem:$0x18100] =	vst v63  }
0x5d: {  	v3 =	vld [tilespmem:$0x30];
	_ =	sdelay $0x4  }
0x5e: {  	v63 =	vshll.u32 v3, $0x3  }
0x5f: {  	v3 =	vand.u32 $0x7, v3;
	v4 =	vand.u32 $0xFFFFFFC0, v63  }
0x60: {  	v3 =	vor.u32 v3, v4  }
0x61: {  	v4 =	vperm.xlane v3, v0;
	_ =	sdelay $0x1  }
0x62: {  	v4 =	vadd.s32 v1, v4;
	_ =	sdelay $0x3  }
0x63: {  	s31 =	simm.s32 $0xC100  }
0x64: {  	[tilespmem:s31], [sflag:$0x1] =	stream.indirect_vreg.gather [hbm4b:s3+s1], $0x80, v4, vm0, $0xb8;
	[tilespmem:$0x18100] =	vst v63  }
0x65: {  	v3 =	vperm.xlane v3, v2  }
0x66: {  	[tilespmem:s12], [sflag:$0x1] =	stream.indirect_vreg.gather [hbm4b:s6+s1], $0x80, v4, vm0, $0xb8;
	[tilespmem:$0x18100] =	vst v63  }
0x67: {  	v3 =	vadd.s32 v1, v3  }
0x68: {  	[tilespmem:s19], [sflag:$0x1] =	stream.indirect_vreg.gather [hbm4b:s7+s1], $0x80, v4, vm0, $0xb8;
	[tilespmem:$0x18100] =	vst v63  }
0x69: {  	_ = 	snop  }
0x6a: {  	[tilespmem:s13], [sflag:$0x1] =	stream.indirect_vreg.gather [hbm4b:s8+s1], $0x80, v4, vm0, $0xb8;
	[tilespmem:$0x18100] =	vst v63  }
0x6b: {  	_ = 	snop  }
0x6c: {  	[tilespmem:s20], [sflag:$0x1] =	stream.indirect_vreg.gather [hbm4b:s3+s1], $0x80, v3, vm0, $0xb8;
	[tilespmem:$0x18100] =	vst v63  }
0x6d: {  	_ = 	snop  }
0x6e: {  	[tilespmem:s21], [sflag:$0x1] =	stream.indirect_vreg.gather [hbm4b:s6+s1], $0x80, v3, vm0, $0xb8;
	[tilespmem:$0x18100] =	vst v63  }
0x6f: {  	_ = 	snop  }
0x70: {  	[tilespmem:s22], [sflag:$0x1] =	stream.indirect_vreg.gather [hbm4b:s7+s1], $0x80, v3, vm0, $0xb8;
	[tilespmem:$0x18100] =	vst v63  }
0x71: {  	_ = 	snop  }
0x72: {  	[tilespmem:s23], [sflag:$0x1] =	stream.indirect_vreg.gather [hbm4b:s8+s1], $0x80, v3, vm0, $0xb8;
	[tilespmem:$0x18100] =	vst v63  }
0x73: {  	_ =	swait.ge [sflag:s24], $0x10000  }
0x74: {  	[sflag:s24] =	ssyncset.done $0x0  }
0x75: {  	s28 =	simm.s32 $0x0;
	[sflag:s24] =	ssyncadd.s32 $0xFFFF0000  }
.LBB2_2:
0x76: {  	s17 =	sshllo.u32 s28, $0x1  }
0x77: {  	s0 =	sshll.u32 s28, $0x1;
	s2 =	sshll.u32 s28, $0xB;
	v4 =	vmov s17  }
0x78: {  	s4 =	simm.s32 $0x0;
	v3 =	vmov s0;
	s2 =	sand.u32 $0xE000, s2  }
0x79: {  	s5 =	sshll.u32 s28, $0x8;
	s11 =	sand.u32 $0x1C00, s4;
	v3 =	vbroadcast v3, $0x0;
	s29 =	sor.u32 $0x100, s2  }
0x7a: {  	s30 =	sand.u32 $0x300, s5;
	s0 =	sshll.u32 s17, $0x7;
	s2 =	sadd.s32 s11, s29  }
0x7b: {  	s31 =	sand.u32 $0x380, s0;
	s0 =	sand.u32 $0x70, s4;
	s9 =	sadd.s32 s30, s2  }
0x7c: {  	s2 =	sadd.s32 s31, s2;
	s4 =	sadd.s32 s0, s9;
	v4 =	vld.idx.msk [tilespmem:v4+s15+$0x0], $0xffff  }
0x7d: {  	s2 =	sadd.s32 s0, s2;
	v5 =	vld [tilespmem:s4+$0x0]  }
0x7e: {  	v6 =	vld [tilespmem:s2+$0x0]  }
0x7f: {  	v3 =	vld.idx.msk [tilespmem:v3+s15+$0x0], $0xffff;
	_ =	sdelay $0x2  }
0x80: {  	s10 =	sshll.u32 s28, $0xA;
	s16 =	sshll.u32 s28, $0x7  }
0x81: {  	s2 =	sand.u32 $0x6000, s10;
	s4 =	sand.u32 $0x380, s16  }
0x82: {  	s17 =	simm.s32 $0x10;
	s2 =	sor.u32 s4, s2;
	s4 =	simm.s32 $0x80;
	v6 =	vmul.f32 v6, v4;
	v5 =	vmul.f32 v5, v3  }
0x83: {  	s5 =	sand.u32 $0x70, s17;
	s2 =	sadd.s32 $0x10100, s2;
	s9 =	sand.u32 $0x1C00, s4  }
0x84: {  	s10 =	simm.s32 $0x20;
	s16 =	sadd.s32 s9, s29;
	s11 =	sadd.s32 s11, s2;
	v5 =	vadd.f32 v6, v5  }
.LBB2_3:
0x85: {  	p0 =	sne.s32 s10, $0x3F0;
	s17 =	sadd.s32 s30, s16;
	s0 =	sadd.s32 s0, s11  }
0x86: {  	s16 =	sadd.s32 s31, s16;
	s11 =	sadd.s32 s5, s17;
	[tilespmem:s0+$0x0] =	vst v5;
	s0 =	smov.u32 s5  }
0x87: {  	v5 =	vld [tilespmem:s11+$0x0];
	s5 =	sadd.s32 s0, s16;
	s11 =	smov.u32 s9  }
0x88: {  	v6 =	vld [tilespmem:s5+$0x0];
	_ =	sdelay $0x2  }
.Ltmp0:
0x89: {  	(pc) =	sbr.rel @p0 .LBB2_3-.Ltmp0, $4  }
0x8a: {  	_ = 	snop  }
0x8b: {  	s4 =	sadd.s32 $0x80, s4;
	v5 =	vmul.f32 v5, v3;
	v6 =	vmul.f32 v6, v4  }
0x8c: {  	s9 =	sand.u32 $0x1C00, s4;
	s5 =	sand.u32 $0x70, s10  }
0x8d: {  	s16 =	sadd.s32 s9, s29;
	s10 =	sadd.s32 $0x10, s10;
	s11 =	sadd.s32 s11, s2;
	v5 =	vadd.f32 v6, v5  }
0x8e: {  	s4 =	sadd.s32 s30, s16;
	s0 =	sadd.s32 s0, s11  }
0x8f: {  	s10 =	sadd.s32 s31, s16;
	s4 =	sadd.s32 s5, s4;
	[tilespmem:s0+$0x0] =	vst v5  }
0x90: {  	s30 =	sadd.s32 s5, s10;
	v5 =	vld [tilespmem:s4+$0x0]  }
0x91: {  	v6 =	vld [tilespmem:s30+$0x0];
	_ =	sdelay $0x2  }
0x92: {  	s28 =	sadd.s32 $0x1, s28  }
0x93: {  	p0 =	sne.s32 s28, $0x20  }
.Ltmp1:
0x94: {  	v3 =	vmul.f32 v5, v3;
	v4 =	vmul.f32 v6, v4;
	(pc) =	sbr.rel @p0 .LBB2_2-.Ltmp1, $4  }
0x95: {  	_ = 	snop  }
0x96: {  	s31 =	sadd.s32 s9, s2;
	v3 =	vadd.f32 v4, v3  }
0x97: {  	s0 =	sadd.s32 s5, s31  }
0x98: {  	[tilespmem:s0+$0x0] =	vst v3  }
0x99: {  	s28 =	simm.s32 $0x0;
	s0 =	rddreg [dreg:$0x5]  }
0x9a: {  	[hbm4b:s0+s28] =	stream.linear.scatter [tilespmem:s25], [sflag:$0x2], $0x8000, $0x38;
	[tilespmem:$0x18100] =	vst v63  }
0x9b: {  	_ =	swait.ge [sflag:s14], $0x8000  }
0x9c: {  	[sflag:s14] =	ssyncset.done $0x0  }
0x9d: {  	s16 =	rddreg [dreg:$0x6];
	[sflag:s14] =	ssyncadd.s32 $0xFFFF8000  }
0x9e: {  	[tilespmem:s28], [sflag:$0x2] =	stream.linear.gather [hbm4b:s16+s28], $0x40, $0x38;
	[tilespmem:$0x18100] =	vst v63  }
0x9f: {  	_ =	swait.ge [sflag:s14], $0x40  }
0xa0: {  	[sflag:s14] =	ssyncset.done $0x0  }
0xa1: {  	s17 =	rddreg [dreg:$0x7];
	[sflag:s14] =	ssyncadd.s32 $0xFFFFFFC0  }
0xa2: {  	[tilespmem:s15], [sflag:$0x2] =	stream.linear.gather [hbm4b:s17+s28], $0x40, $0x38;
	[tilespmem:$0x18100] =	vst v63  }
0xa3: {  	_ =	swait.ge [sflag:s14], $0x40  }
0xa4: {  	[sflag:s14] =	ssyncset.done $0x0  }
0xa5: {  	[sflag:s14] =	ssyncadd.s32 $0xFFFFFFC0  }
0xa6: {  	v3 =	vld [tilespmem:$0x0];
	_ =	sdelay $0x4  }
0xa7: {  	v4 =	vshll.u32 v3, $0x3  }
0xa8: {  	v3 =	vand.u32 $0x7, v3;
	v4 =	vand.u32 $0xFFFFFFC0, v4  }
0xa9: {  	v3 =	vor.u32 v3, v4  }
0xaa: {  	v4 =	vperm.xlane v3, v0;
	_ =	sdelay $0x1  }
0xab: {  	v4 =	vadd.s32 v1, v4;
	_ =	sdelay $0x4  }
0xac: {  	[tilespmem:s18], [sflag:$0x1] =	stream.indirect_vreg.gather [hbm4b:s3+s28], $0x80, v4, vm0, $0xb8;
	[tilespmem:$0x18100] =	vst v63  }
0xad: {  	s30 =	simm.s32 $0x900;
	v3 =	vperm.xlane v3, v2  }
0xae: {  	[tilespmem:s30], [sflag:$0x1] =	stream.indirect_vreg.gather [hbm4b:s6+s28], $0x80, v4, vm0, $0xb8;
	[tilespmem:$0x18100] =	vst v63  }
0xaf: {  	s31 =	simm.s32 $0x1100;
	v3 =	vadd.s32 v1, v3  }
0xb0: {  	[tilespmem:s31], [sflag:$0x1] =	stream.indirect_vreg.gather [hbm4b:s7+s28], $0x80, v4, vm0, $0xb8;
	[tilespmem:$0x18100] =	vst v63  }
0xb1: {  	s2 =	simm.s32 $0x1900  }
0xb2: {  	[tilespmem:s2], [sflag:$0x1] =	stream.indirect_vreg.gather [hbm4b:s8+s28], $0x80, v4, vm0, $0xb8;
	[tilespmem:$0x18100] =	vst v63  }
0xb3: {  	s4 =	simm.s32 $0x2100  }
0xb4: {  	[tilespmem:s4], [sflag:$0x1] =	stream.indirect_vreg.gather [hbm4b:s3+s28], $0x80, v3, vm0, $0xb8;
	[tilespmem:$0x18100] =	vst v63  }
0xb5: {  	s5 =	simm.s32 $0x2900  }
0xb6: {  	[tilespmem:s5], [sflag:$0x1] =	stream.indirect_vreg.gather [hbm4b:s6+s28], $0x80, v3, vm0, $0xb8;
	[tilespmem:$0x18100] =	vst v63  }
0xb7: {  	s9 =	simm.s32 $0x3100  }
0xb8: {  	[tilespmem:s9], [sflag:$0x1] =	stream.indirect_vreg.gather [hbm4b:s7+s28], $0x80, v3, vm0, $0xb8;
	[tilespmem:$0x18100] =	vst v63  }
0xb9: {  	s10 =	simm.s32 $0x3900  }
0xba: {  	[tilespmem:s10], [sflag:$0x1] =	stream.indirect_vreg.gather [hbm4b:s8+s28], $0x80, v3, vm0, $0xb8;
	[tilespmem:$0x18100] =	vst v63  }
0xbb: {  	v3 =	vld [tilespmem:$0x10];
	_ =	sdelay $0x4  }
0xbc: {  	v61 =	vshll.u32 v3, $0x3  }
0xbd: {  	v3 =	vand.u32 $0x7, v3;
	v4 =	vand.u32 $0xFFFFFFC0, v61  }
0xbe: {  	v3 =	vor.u32 v3, v4  }
0xbf: {  	v4 =	vperm.xlane v3, v0;
	_ =	sdelay $0x1  }
0xc0: {  	v4 =	vadd.s32 v1, v4;
	_ =	sdelay $0x3  }
0xc1: {  	s11 =	simm.s32 $0x4100  }
0xc2: {  	[tilespmem:s11], [sflag:$0x1] =	stream.indirect_vreg.gather [hbm4b:s3+s28], $0x80, v4, vm0, $0xb8;
	[tilespmem:$0x18100] =	vst v63  }
0xc3: {  	s16 =	simm.s32 $0x4900;
	v3 =	vperm.xlane v3, v2  }
0xc4: {  	[tilespmem:s16], [sflag:$0x1] =	stream.indirect_vreg.gather [hbm4b:s6+s28], $0x80, v4, vm0, $0xb8;
	[tilespmem:$0x18100] =	vst v63  }
0xc5: {  	s17 =	simm.s32 $0x5100;
	v3 =	vadd.s32 v1, v3  }
0xc6: {  	[tilespmem:s17], [sflag:$0x1] =	stream.indirect_vreg.gather [hbm4b:s7+s28], $0x80, v4, vm0, $0xb8;
	[tilespmem:$0x18100] =	vst v63  }
0xc7: {  	s18 =	simm.s32 $0x5900  }
0xc8: {  	[tilespmem:s18], [sflag:$0x1] =	stream.indirect_vreg.gather [hbm4b:s8+s28], $0x80, v4, vm0, $0xb8;
	[tilespmem:$0x18100] =	vst v63  }
0xc9: {  	s30 =	simm.s32 $0x6100  }
0xca: {  	[tilespmem:s30], [sflag:$0x1] =	stream.indirect_vreg.gather [hbm4b:s3+s28], $0x80, v3, vm0, $0xb8;
	[tilespmem:$0x18100] =	vst v63  }
0xcb: {  	s31 =	simm.s32 $0x6900  }
0xcc: {  	[tilespmem:s31], [sflag:$0x1] =	stream.indirect_vreg.gather [hbm4b:s6+s28], $0x80, v3, vm0, $0xb8;
	[tilespmem:$0x18100] =	vst v63  }
0xcd: {  	s2 =	simm.s32 $0x7100  }
0xce: {  	[tilespmem:s2], [sflag:$0x1] =	stream.indirect_vreg.gather [hbm4b:s7+s28], $0x80, v3, vm0, $0xb8;
	[tilespmem:$0x18100] =	vst v63  }
0xcf: {  	s4 =	simm.s32 $0x7900  }
0xd0: {  	[tilespmem:s4], [sflag:$0x1] =	stream.indirect_vreg.gather [hbm4b:s8+s28], $0x80, v3, vm0, $0xb8;
	[tilespmem:$0x18100] =	vst v63  }
0xd1: {  	v3 =	vld [tilespmem:$0x20];
	_ =	sdelay $0x4  }
0xd2: {  	v62 =	vshll.u32 v3, $0x3  }
0xd3: {  	v3 =	vand.u32 $0x7, v3;
	v4 =	vand.u32 $0xFFFFFFC0, v62  }
0xd4: {  	v3 =	vor.u32 v3, v4  }
0xd5: {  	v4 =	vperm.xlane v3, v0;
	_ =	sdelay $0x1  }
0xd6: {  	v4 =	vadd.s32 v1, v4;
	_ =	sdelay $0x3  }
0xd7: {  	s5 =	simm.s32 $0x8100  }
0xd8: {  	[tilespmem:s5], [sflag:$0x1] =	stream.indirect_vreg.gather [hbm4b:s3+s28], $0x80, v4, vm0, $0xb8;
	[tilespmem:$0x18100] =	vst v63  }
0xd9: {  	s9 =	simm.s32 $0x8900;
	v3 =	vperm.xlane v3, v2  }
0xda: {  	[tilespmem:s9], [sflag:$0x1] =	stream.indirect_vreg.gather [hbm4b:s6+s28], $0x80, v4, vm0, $0xb8;
	[tilespmem:$0x18100] =	vst v63  }
0xdb: {  	s10 =	simm.s32 $0x9100;
	v3 =	vadd.s32 v1, v3  }
0xdc: {  	[tilespmem:s10], [sflag:$0x1] =	stream.indirect_vreg.gather [hbm4b:s7+s28], $0x80, v4, vm0, $0xb8;
	[tilespmem:$0x18100] =	vst v63  }
0xdd: {  	s11 =	simm.s32 $0x9900  }
0xde: {  	[tilespmem:s11], [sflag:$0x1] =	stream.indirect_vreg.gather [hbm4b:s8+s28], $0x80, v4, vm0, $0xb8;
	[tilespmem:$0x18100] =	vst v63  }
0xdf: {  	s16 =	simm.s32 $0xA100  }
0xe0: {  	[tilespmem:s16], [sflag:$0x1] =	stream.indirect_vreg.gather [hbm4b:s3+s28], $0x80, v3, vm0, $0xb8;
	[tilespmem:$0x18100] =	vst v63  }
0xe1: {  	s17 =	simm.s32 $0xA900  }
0xe2: {  	[tilespmem:s17], [sflag:$0x1] =	stream.indirect_vreg.gather [hbm4b:s6+s28], $0x80, v3, vm0, $0xb8;
	[tilespmem:$0x18100] =	vst v63  }
0xe3: {  	s18 =	simm.s32 $0xB100  }
0xe4: {  	[tilespmem:s18], [sflag:$0x1] =	stream.indirect_vreg.gather [hbm4b:s7+s28], $0x80, v3, vm0, $0xb8;
	[tilespmem:$0x18100] =	vst v63  }
0xe5: {  	s30 =	simm.s32 $0xB900  }
0xe6: {  	[tilespmem:s30], [sflag:$0x1] =	stream.indirect_vreg.gather [hbm4b:s8+s28], $0x80, v3, vm0, $0xb8;
	[tilespmem:$0x18100] =	vst v63  }
0xe7: {  	v3 =	vld [tilespmem:$0x30];
	_ =	sdelay $0x4  }
0xe8: {  	v63 =	vshll.u32 v3, $0x3  }
0xe9: {  	v3 =	vand.u32 $0x7, v3;
	v4 =	vand.u32 $0xFFFFFFC0, v63  }
0xea: {  	v3 =	vor.u32 v3, v4  }
0xeb: {  	v4 =	vperm.xlane v3, v0;
	_ =	sdelay $0x1  }
0xec: {  	v4 =	vadd.s32 v1, v4;
	_ =	sdelay $0x3  }
0xed: {  	s31 =	simm.s32 $0xC100  }
0xee: {  	[tilespmem:s31], [sflag:$0x1] =	stream.indirect_vreg.gather [hbm4b:s3+s28], $0x80, v4, vm0, $0xb8;
	[tilespmem:$0x18100] =	vst v63  }
0xef: {  	v3 =	vperm.xlane v3, v2  }
0xf0: {  	[tilespmem:s12], [sflag:$0x1] =	stream.indirect_vreg.gather [hbm4b:s6+s28], $0x80, v4, vm0, $0xb8;
	[tilespmem:$0x18100] =	vst v63  }
0xf1: {  	v3 =	vadd.s32 v1, v3  }
0xf2: {  	[tilespmem:s19], [sflag:$0x1] =	stream.indirect_vreg.gather [hbm4b:s7+s28], $0x80, v4, vm0, $0xb8;
	[tilespmem:$0x18100] =	vst v63  }
0xf3: {  	_ = 	snop  }
0xf4: {  	[tilespmem:s13], [sflag:$0x1] =	stream.indirect_vreg.gather [hbm4b:s8+s28], $0x80, v4, vm0, $0xb8;
	[tilespmem:$0x18100] =	vst v63  }
0xf5: {  	_ = 	snop  }
0xf6: {  	[tilespmem:s20], [sflag:$0x1] =	stream.indirect_vreg.gather [hbm4b:s3+s28], $0x80, v3, vm0, $0xb8;
	[tilespmem:$0x18100] =	vst v63  }
0xf7: {  	_ = 	snop  }
0xf8: {  	[tilespmem:s21], [sflag:$0x1] =	stream.indirect_vreg.gather [hbm4b:s6+s28], $0x80, v3, vm0, $0xb8;
	[tilespmem:$0x18100] =	vst v63  }
0xf9: {  	_ = 	snop  }
0xfa: {  	[tilespmem:s22], [sflag:$0x1] =	stream.indirect_vreg.gather [hbm4b:s7+s28], $0x80, v3, vm0, $0xb8;
	[tilespmem:$0x18100] =	vst v63  }
0xfb: {  	_ = 	snop  }
0xfc: {  	[tilespmem:s23], [sflag:$0x1] =	stream.indirect_vreg.gather [hbm4b:s8+s28], $0x80, v3, vm0, $0xb8;
	[tilespmem:$0x18100] =	vst v63  }
0xfd: {  	_ =	swait.ge [sflag:s24], $0x10000  }
0xfe: {  	[sflag:s24] =	ssyncset.done $0x0  }
0xff: {  	s29 =	simm.s32 $0x0;
	[sflag:s24] =	ssyncadd.s32 $0xFFFF0000  }
.LBB2_6:
0x100: {  	s10 =	sshllo.u32 s29, $0x1  }
0x101: {  	s0 =	sshll.u32 s29, $0x1;
	s2 =	sshll.u32 s29, $0xB;
	v4 =	vmov s10  }
0x102: {  	v3 =	vmov s0;
	s2 =	sand.u32 $0xE000, s2  }
0x103: {  	s4 =	sshll.u32 s29, $0x8;
	s17 =	sand.u32 $0x1C00, s28;
	v3 =	vbroadcast v3, $0x0;
	s30 =	sor.u32 $0x100, s2  }
0x104: {  	s31 =	sand.u32 $0x300, s4;
	s0 =	sshll.u32 s10, $0x7;
	s11 =	sadd.s32 s17, s30  }
0x105: {  	s0 =	sand.u32 $0x380, s0;
	s2 =	sand.u32 $0x70, s28;
	s5 =	sadd.s32 s31, s11  }
0x106: {  	s4 =	sadd.s32 s0, s11;
	s5 =	sadd.s32 s2, s5;
	v4 =	vld.idx.msk [tilespmem:v4+s15+$0x0], $0xffff  }
0x107: {  	s4 =	sadd.s32 s2, s4;
	v5 =	vld [tilespmem:s5+$0x0]  }
0x108: {  	v6 =	vld [tilespmem:s4+$0x0]  }
0x109: {  	v3 =	vld.idx.msk [tilespmem:v3+s15+$0x0], $0xffff;
	_ =	sdelay $0x2  }
0x10a: {  	s16 =	sshll.u32 s29, $0xA;
	s18 =	sshll.u32 s29, $0x7  }
0x10b: {  	s4 =	sand.u32 $0x6000, s16;
	s5 =	sand.u32 $0x380, s18  }
0x10c: {  	s9 =	simm.s32 $0x10;
	s4 =	sor.u32 s5, s4;
	s5 =	simm.s32 $0x80;
	v6 =	vmul.f32 v6, v4;
	v5 =	vmul.f32 v5, v3  }
0x10d: {  	s9 =	sand.u32 $0x70, s9;
	s4 =	sadd.s32 $0x10100, s4;
	s10 =	sand.u32 $0x1C00, s5  }
0x10e: {  	s16 =	simm.s32 $0x20;
	s11 =	sadd.s32 s10, s30;
	s17 =	sadd.s32 s17, s4;
	v5 =	vadd.f32 v6, v5  }
.LBB2_7:
0x10f: {  	p0 =	sne.s32 s16, $0x3F0;
	s18 =	sadd.s32 s31, s11;
	s2 =	sadd.s32 s2, s17  }
0x110: {  	s11 =	sadd.s32 s0, s11;
	s17 =	sadd.s32 s9, s18;
	[tilespmem:s2+$0x0] =	vst v5;
	s2 =	smov.u32 s9  }
0x111: {  	v5 =	vld [tilespmem:s17+$0x0];
	s9 =	sadd.s32 s2, s11;
	s17 =	smov.u32 s10  }
0x112: {  	v6 =	vld [tilespmem:s9+$0x0];
	_ =	sdelay $0x2  }
.Ltmp2:
0x113: {  	(pc) =	sbr.rel @p0 .LBB2_7-.Ltmp2, $4  }
0x114: {  	_ = 	snop  }
0x115: {  	s5 =	sadd.s32 $0x80, s5;
	v5 =	vmul.f32 v5, v3;
	v6 =	vmul.f32 v6, v4  }
0x116: {  	s10 =	sand.u32 $0x1C00, s5;
	s9 =	sand.u32 $0x70, s16  }
0x117: {  	s11 =	sadd.s32 s10, s30;
	s16 =	sadd.s32 $0x10, s16;
	s17 =	sadd.s32 s17, s4;
	v5 =	vadd.f32 v6, v5  }
0x118: {  	s5 =	sadd.s32 s31, s11;
	s2 =	sadd.s32 s2, s17  }
0x119: {  	s0 =	sadd.s32 s0, s11;
	s5 =	sadd.s32 s9, s5;
	[tilespmem:s2+$0x0] =	vst v5  }
0x11a: {  	s0 =	sadd.s32 s9, s0;
	v5 =	vld [tilespmem:s5+$0x0]  }
0x11b: {  	v6 =	vld [tilespmem:s0+$0x0];
	_ =	sdelay $0x2  }
0x11c: {  	s29 =	sadd.s32 $0x1, s29  }
0x11d: {  	p0 =	sne.s32 s29, $0x20  }
.Ltmp3:
0x11e: {  	v3 =	vmul.f32 v5, v3;
	v4 =	vmul.f32 v6, v4;
	(pc) =	sbr.rel @p0 .LBB2_6-.Ltmp3, $4  }
0x11f: {  	_ = 	snop  }
0x120: {  	s31 =	sadd.s32 s10, s4;
	v3 =	vadd.f32 v4, v3  }
0x121: {  	s0 =	sadd.s32 s9, s31  }
0x122: {  	[tilespmem:s0+$0x0] =	vst v3  }
0x123: {  	s0 =	rddreg [dreg:$0x8]  }
0x124: {  	[hbm4b:s0+s1] =	stream.linear.scatter [tilespmem:s25], [sflag:$0x2], $0x8000, $0x38;
	[tilespmem:$0x18100] =	vst v63  }
0x125: {  	_ =	swait.ge [sflag:s14], $0x8000  }
0x126: {  	s26 =	sadd.s32 $0x1, s26;
	s31 =	rddreg [dreg:$0x9]  }
0x127: {  	p0 =	sne.s32 s26, s31  }
.Ltmp4:
0x128: {  	_ = 	snop;
	(pc) =	sbr.rel @p0 .LBB2_1-.Ltmp4, $3  }
0x129: {  	_ =	sdelay $0x1  }
0x12a: {  	[sflag:s14] =	ssyncset.done $0x0  }
0x12b: {  	s18 =	simm.s32 $0x100;
	[sflag:s14] =	ssyncadd.s32 $0xFFFF8000  }
0x12c: {  	_ =	sfence.sel $0x180000  }
0x12d: {  	[bflag:$0x0] =	sbarrier.arrive $0xFFFF  }
0x12e: {  	_ =	strace $0x9000004D  }
0x12f: {  	s0 =	stileid.u32;
	[bflag:$0x2] =	sbarrier.arrive $0xFFFF  }
0x130: {  	p0 =	sne.s32 s0, $0x0;
	s0 =	rddreg [dreg:$0x2]  }
0x131: {  	s0 =	sadd.s32 @!p0 $0x100000, s0  }
0x132: {  	[sflag:s0] =	ssyncadd.tile.s32 @!p0 $0x1;
	_ =	shalt  }
.Lfunc_end2:
_tile_overlayer_lowered:
.L_overlay_start_2:
0x133: {  	(tag) =	ssettag $0x2  }
0x134: {  	s0 =	rddreg [dreg:$0x0];
	s2 =	stileid.u32  }
0x135: {  	s1 =	rddreg [dreg:$0x1];
	p0 =	sne.s32 s2, $0x0  }
0x136: {  	s3 =	rddreg [dreg:$0x2];
	[bflag:$0x3] =	sbarrier.arrive $0xFFFF;
	s2 =	simm.s32 @!p0 $0x1C02  }
0x137: {  	[timem:s3], [sflag:s2] =	dma.local @!p0 [hbm:s0], s1  }
0x138: {  	s0 =	simm.s32 @!p0 $0x2  }
0x139: {  	_ =	swait.ge @!p0 [sflag:s0], s1  }
0x13a: {  	s1 =	ssub.s32 @!p0 $0x0, s1;
	[sflag:s0] =	ssyncset.done @!p0 $0x0  }
0x13b: {  	[sflag:s0] =	ssyncadd.s32 @!p0 s1  }
0x13c: {  	[bflag:$0x3] =	sbarrier.arrive $0xFFFF  }
0x13d: {  	_ =	shalt  }

// kernel: kernel.8.cloned.1.call-start
scs
__scs_entry_jumppad:
0x0: {  	(pc) =	sbr.rel $0x88, $3  }
0x1: {  	(tag) =	ssettag $0x0;
	lr =	simm.s32 $0x1  }
0x2: {  	[smem:$0x3F9D] =	sst lr;
	_ =	strace $0xD0000000  }
0x3: {  	_ = 	snop  }
0x4: {  	_ = 	snop  }
0x5: {  	_ = 	snop  }
0x6: {  	_ = 	snop  }
0x7: {  	_ = 	snop  }
__scs_overlays_trampoline_lowered:
0x8: {  	[smem:$0x3FAC] =	sst s0  }
0x9: {  	[smem:$0x3FAD] =	sst s1  }
0xa: {  	[smem:$0x3FAE] =	sst s2  }
0xb: {  	[smem:$0x3FAF] =	sst s3  }
0xc: {  	[smem:$0x3FB0] =	sst s4  }
0xd: {  	[smem:$0x3FB1] =	sst s5  }
0xe: {  	[smem:$0x3FB2] =	sst s6  }
0xf: {  	[smem:$0x3FB3] =	sst s7  }
0x10: {  	[smem:$0x3FB4] =	sst s8  }
0x11: {  	[smem:$0x3FB5] =	sst s9;
	s0 =	simm.s32 @!p0 $0x0  }
0x12: {  	s1 =	sld [smem:$0x3F9B];
	s0 =	simm.s32 @p0 $0x1  }
0x13: {  	[smem:$0x3FB6] =	sst s0;
	s0 =	simm.s32 @!p1 $0x0  }
0x14: {  	s2 =	sld [smem:$0x3F9A];
	s0 =	simm.s32 @p1 $0x1  }
0x15: {  	[smem:$0x3FB7] =	sst s0;
	s0 =	simm.s32 @!p2 $0x0  }
0x16: {  	s3 =	sld [smem:$0x3FDB];
	s0 =	simm.s32 @p2 $0x1  }
0x17: {  	s4 =	simm.s32 $0x1BF5;
	[smem:$0x3FB9] =	sst s0  }
0x18: {  	s0 =	sld [smem:$0x3F9C];
	_ =	swait.ge [sflag:s4], $0x0  }
0x19: {  	s7 =	sld [smem:$0x3F9D]  }
0x1a: {  	s8 =	sadd.s32 $0xFFFFE003, lr  }
0x1b: {  	s9 =	sadd.s32 $0xFFFFFEF7, lr;
	s5 =	simm.s32 $0xFFFFFFFF;
	p2 =	slt.u32 s8, $0xFFFFF086  }
0x1c: {  	p1 =	slt.u32 s9, $0xF7A;
	s5 =	simm.s32 @!p2 $0x0  }
0x1d: {  	s5 =	simm.s32 @p1 $0x1;
	p0 =	seq.s32 s7, s2  }
0x1e: {  	s7 =	smul.u32 @!p0 $0xF7A, s2;
	p2 =	seq.s32 @!p0 s5, $0x0  }
0x1f: {  	s9 =	smul.u32 $0xF7A, s1;
	s8 =	simm.s32 @!p0 $0x1BF5;
	p2 =	por !p2, p0  }
0x20: {  	[sflag:s8] =	ssyncset.s32 @!p0 $0xFFFFF086;
	s6 =	sadd.s32 @!p0 s3, s7;
	s7 =	simm.s32 @!p0 $0x108  }
0x21: {  	s3 =	sadd.s32 s3, s9;
	s6 =	sadd.s32 @!p0 $0x88, s6;
	s7 =	simm.s32 @p2 $0x1082  }
0x22: {  	[simem:s7], [sflag:s8] =	dma.local @!p0 [hbm:s6], $0xF7A  }
0x23: {  	s9 =	sor.u32 $0xD0000000, s2;
	s6 =	simm.s32 $0x108;
	_ =	swait.ge @!p0 [sflag:s8], $0x0  }
0x24: {  	s3 =	sadd.s32 $0x88, s3;
	s6 =	simm.s32 @!p1 $0x1082;
	[sflag:s4] =	ssyncset.s32 $0xFFFFF086  }
0x25: {  	[simem:s6], [sflag:s4] =	dma.local [hbm:s3], $0xF7A  }
0x26: {  	[smem:$0x3F9D] =	sst s1;
	(tag) =	ssettag s2;
	_ =	strace s9  }
0x27: {  	s1 =	sld [smem:$0x3FAD]  }
0x28: {  	s2 =	sld [smem:$0x3FAE]  }
0x29: {  	s4 =	sld [smem:$0x3FB0]  }
0x2a: {  	p0 =	seq.s32 s5, $0x0;
	s5 =	sld [smem:$0x3FB1]  }
0x2b: {  	s6 =	sld [smem:$0x3FB2]  }
0x2c: {  	s7 =	sld [smem:$0x3FB3]  }
0x2d: {  	s3 =	simm.s32 $0x108;
	s8 =	sld [smem:$0x3FB4]  }
0x2e: {  	s3 =	simm.s32 @!p0 $0x1082;
	s9 =	sld [smem:$0x3FB5]  }
0x2f: {  	lr =	sadd.s32 s0, s3;
	s0 =	sld [smem:$0x3FAC]  }
0x30: {  	s3 =	sld [smem:$0x3FAF]  }
0x31: {  	[smem:$0x3FB8] =	sst s10  }
0x32: {  	s10 =	sld [smem:$0x3FB6];
	_ =	sdelay $0x3  }
0x33: {  	p0 =	seq.s32 s10, $0x1;
	s10 =	sld [smem:$0x3FB8];
	_ =	sdelay $0x3  }
0x34: {  	[smem:$0x3FB8] =	sst s10  }
0x35: {  	s10 =	sld [smem:$0x3FB7];
	_ =	sdelay $0x3  }
0x36: {  	p1 =	seq.s32 s10, $0x1;
	s10 =	sld [smem:$0x3FB8];
	_ =	sdelay $0x3  }
0x37: {  	[smem:$0x3FB8] =	sst s10  }
0x38: {  	s10 =	sld [smem:$0x3FB9]  }
0x39: {  	_ = 	snop;
	(pc) =	sbr.ind lr, $3  }
0x3a: {  	_ = 	snop  }
0x3b: {  	_ = 	snop  }
0x3c: {  	p2 =	seq.s32 s10, $0x1;
	s10 =	sld [smem:$0x3FB8]  }
0x3d: {  	_ =	shalt  }
0x3e: {  	_ =	shalt  }
0x3f: {  	_ =	shalt  }
0x40: {  	_ =	shalt  }
0x41: {  	_ =	shalt  }
0x42: {  	_ =	shalt  }
0x43: {  	_ =	shalt  }
0x44: {  	_ =	shalt  }
0x45: {  	_ =	shalt  }
0x46: {  	_ =	shalt  }
0x47: {  	_ =	shalt  }
0x48: {  	_ =	shalt  }
0x49: {  	_ =	shalt  }
0x4a: {  	_ =	shalt  }
0x4b: {  	_ =	shalt  }
0x4c: {  	_ =	shalt  }
0x4d: {  	_ =	shalt  }
0x4e: {  	_ =	shalt  }
0x4f: {  	_ =	shalt  }
0x50: {  	_ =	shalt  }
0x51: {  	_ =	shalt  }
0x52: {  	_ =	shalt  }
0x53: {  	_ =	shalt  }
0x54: {  	_ =	shalt  }
0x55: {  	_ =	shalt  }
0x56: {  	_ =	shalt  }
0x57: {  	_ =	shalt  }
0x58: {  	_ =	shalt  }
0x59: {  	_ =	shalt  }
0x5a: {  	_ =	shalt  }
0x5b: {  	_ =	shalt  }
0x5c: {  	_ =	shalt  }
0x5d: {  	_ =	shalt  }
0x5e: {  	_ =	shalt  }
0x5f: {  	_ =	shalt  }
0x60: {  	_ =	shalt  }
0x61: {  	_ =	shalt  }
0x62: {  	_ =	shalt  }
0x63: {  	_ =	shalt  }
0x64: {  	_ =	shalt  }
0x65: {  	_ =	shalt  }
0x66: {  	_ =	shalt  }
0x67: {  	_ =	shalt  }
0x68: {  	_ =	shalt  }
0x69: {  	_ =	shalt  }
0x6a: {  	_ =	shalt  }
0x6b: {  	_ =	shalt  }
0x6c: {  	_ =	shalt  }
0x6d: {  	_ =	shalt  }
0x6e: {  	_ =	shalt  }
0x6f: {  	_ =	shalt  }
0x70: {  	_ =	shalt  }
0x71: {  	_ =	shalt  }
0x72: {  	_ =	shalt  }
0x73: {  	_ =	shalt  }
0x74: {  	_ =	shalt  }
0x75: {  	_ =	shalt  }
0x76: {  	_ =	shalt  }
0x77: {  	_ =	shalt  }
0x78: {  	_ =	shalt  }
0x79: {  	_ =	shalt  }
0x7a: {  	_ =	shalt  }
0x7b: {  	_ =	shalt  }
0x7c: {  	_ =	shalt  }
0x7d: {  	_ =	shalt  }
0x7e: {  	_ =	shalt  }
0x7f: {  	_ =	shalt  }
0x80: {  	_ =	shalt  }
0x81: {  	_ =	shalt  }
0x82: {  	_ =	shalt  }
0x83: {  	_ =	shalt  }
0x84: {  	_ =	shalt  }
0x85: {  	_ =	shalt  }
0x86: {  	_ =	shalt  }
0x87: {  	_ =	shalt  }
.Lfunc_end0:
.L_simem_size_0:
called_computation_lowered:
.L_overlay_start_0:
0x88: {  	s2 =	sld [smem:$0x3FD9]  }
0x89: {  	s3 =	sld [smem:$0x3FFE];
	_ =	sdelay $0x1  }
0x8a: {  	s1 =	srdreg.scid  }
0x8b: {  	s0 =	sand.u32 $0x1, s1  }
0x8c: {  	s16 =	sshll.u32 s0, $0xA;
	s2 =	sadd.s32 s3, s2  }
0x8d: {  	s2 =	sadd.s32 s2, s16  }
0x8e: {  	[smem:$0x3FC4] =	sst s2  }
0x8f: {  	_ = 	snop  }
0x90: {  	(tm) =	ssettm $0x1  }
0x91: {  	s17 =	sld [smem:$0x3FFB];
	_ =	sdelay $0x3  }
0x92: {  	_ =	strace s17  }
0x93: {  	s2 =	sld [smem:$0x3FFC];
	_ =	sdelay $0x3  }
0x94: {  	_ =	strace s2  }
0x95: {  	s2 =	sld [smem:$0x3FFD];
	_ =	sdelay $0x3  }
0x96: {  	_ =	strace s2  }
0x97: {  	_ =	strace $0x8FFFFFFF  }
0x98: {  	s18 =	sld [smem:$0x3FDB];
	_ =	sdelay $0x1  }
0x99: {  	s19 =	simm.s32 $_scs_section_size  }
0x9a: {  	s4 =	simm.s32 $_size__tile_overlayer_lowered;
	s5 =	simm.s32 $_tile_overlayer_lowered  }
0x9b: {  	s22 =	simm.s32 $0x1BFF;
	s21 =	sshll.u32 s5, $0x1;
	s2 =	sadd.s32 s19, s18  }
0x9c: {  	s6 =	simm.s32 $0x0;
	s20 =	sshll.u32 s4, $0x1;
	s4 =	sadd.s32 s21, s2  }
0x9d: {  	[timem:s6], [sflag:s22] =	dma.local [hbm:s4], s20  }
0x9e: {  	_ =	swait.ge [sflag:s22], s20  }
0x9f: {  	s3 =	ssub.s32 $0x0, s20;
	[sflag:s22] =	ssyncset.done $0x0  }
0xa0: {  	[sflag:s22] =	ssyncadd.s32 s3;
	_ =	sdelay $0x1  }
0xa1: {  	s23 =	simm.s32 $0x1B8B  }
0xa2: {  	_ =	swait.ge [sflag:s23], $0x1  }
0xa3: {  	[sflag:s23] =	ssyncset.done $0x0  }
0xa4: {  	s25 =	simm.s32 $0x1B8E;
	s24 =	sld [smem:$0x3FFE];
	[sflag:s23] =	ssyncadd.s32 $0xFFFFFFFF  }
0xa5: {  	s26 =	simm.s32 $execute0_lowered;
	[smem:$0x3FD2] =	sst s25  }
0xa6: {  	s4 =	sshll.u32 s26, $0x1;
	_ =	strace $0x80000046;
	[dreg:$0x1] =	wrdreg $0xFFFFFFFF  }
0xa7: {  	s28 =	simm.s32 $_size_execute0_lowered;
	s2 =	sadd.s32 s2, s4;
	[dreg:$0x0] =	wrdreg $0x0  }
0xa8: {  	s4 =	sshll.u32 s28, $0x1;
	[dreg:$0x2] =	wrdreg s2  }
0xa9: {  	[dreg:$0x3] =	wrdreg s4  }
0xaa: {  	[dreg:$0x4] =	wrdreg $0xC0  }
0xab: {  	_ =	task [dreg:s6], $0x5FFFF  }
0xac: {  	[dreg:$0x1] =	wrdreg $0xFFFFFFFF  }
0xad: {  	[dreg:$0x0] =	wrdreg $0x60  }
0xae: {  	[dreg:$0x2] =	wrdreg s24  }
0xaf: {  	[dreg:$0x3] =	wrdreg $0x9  }
0xb0: {  	_ =	task.clear_ibuf [dreg:s6], $0x4FFFF;
	_ =	strace $0x90000046  }
0xb1: {  	s29 =	simm.s32 $0x9;
	_ =	strace $0x80000048  }
0xb2: {  	_ =	swait.ge [sflag:s29], $0x1  }
0xb3: {  	[sflag:s29] =	ssyncadd.s32 $0xFFFFFFFF  }
0xb4: {  	_ =	strace $0x90000048  }
0xb5: {  	_ =	sfence  }
0xb6: {  	s30 =	sld [smem:$0x0];
	_ =	sdelay $0x2  }
0xb7: {  	s31 =	sshll.u32 s1, $0xD;
	s1 =	sshrl.u32 s1, $0x2  }
0xb8: {  	s3 =	sand.u32 $0x4000, s31;
	s1 =	sadd.s32 s1, s30  }
0xb9: {  	s0 =	sor.u32 s3, s0;
	s1 =	sshll.u32 s1, $0x11  }
0xba: {  	s0 =	sor.u32 s1, s0  }
0xbb: {  	s0 =	sadd.s32 $0x8F2B, s0  }
0xbc: {  	[sflag:s0] =	ssyncadd.remote.s32 $0x1  }
0xbd: {  	_ =	sfence.sel $0xFFFF  }
0xbe: {  	[dreg:$0x0] =	wrdreg $0xFFFFFFFF;
	(pc) =	sbr.abs _section_cstart, $3  }
0xbf: {  	[dreg:$0x1] =	wrdreg $0xFFFFFFFF  }
0xc0: {  	_ =	task.clear_ibuf [dreg:s6], $0x2FFFF;
	_ =	strace $0x9FFFFFFF  }
0xc1: {  	(tm) =	ssettm $0x7FFFFFFF  }
tec
execute0_lowered:
.L_overlay_start_1:
0x0: {  	(tag) =	ssettag $0x1  }
0x1: {  	s0 =	srdreg.scid  }
0x2: {  	s2 =	sand.u32 $0x1, s0;
	s0 =	stileid.u32  }
0x3: {  	s3 =	sor.u32 s0, s2  }
0x4: {  	p0 =	sne.s32 s3, $0x0  }
.Ltmp0:
0x5: {  	_ = 	snop;
	(pc) =	sbr.rel @p0 .LBB2_7-.Ltmp0, $3  }
0x6: {  	_ =	sdelay $0x1  }
0x7: {  	s4 =	rddreg [dreg:$0x0]  }
0x8: {  	s1 =	rddreg [dreg:$0x1];
	_ =	strace $0x80000047  }
0x9: {  	s5 =	ssub.s32 $0x2, s2;
	s2 =	sadd.s32 $0x1800, s4;
	s3 =	sadd.s32 $0x1C00, s4  }
0xa: {  	s4 =	sadd.s32 $0x1A00, s4;
	v0 =	vimm.s32 $0x0;
	vm0 =	vmmov $0x1;
	vm1 =	vcmask $0x704;
	s7 =	simm.s32 $0x1;
	s8 =	simm.s32 $0x2080  }
0xb: {  	vm2 =	vcmask $0xB08;
	vm3 =	vcmask $0xF0C;
	vm4 =	vcmask $0x1310;
	s9 =	simm.s32 $0x2000;
	s10 =	simm.s32 $0x1000;
	s6 =	sshrl.u32 s5, $0x1  }
0xc: {  	vm5 =	vcmask $0x1714;
	vm6 =	vcmask $0x1B18;
	vm7 =	vcmask $0x1F1C;
	s11 =	simm.s32 $0x0;
	s5 =	ssub.s32 s5, s6;
	s6 =	simm.s32 $0x0  }
.LBB2_2:
0xd: {  	[tilespmem:s6], [sflag:$0x1] =	stream.linear.gather [hbm4b:s2+s6], $0x1000, $0x38;
	[tilespmem:$0x2100] =	vst v63  }
0xe: {  	_ =	swait.ge [sflag:s7], $0x1000  }
0xf: {  	[sflag:s7] =	ssyncset.done $0x0  }
0x10: {  	s12 =	simm.s32 $0x0;
	[sflag:s7] =	ssyncadd.s32 $0xFFFFF000  }
0x11: {  	v2 =	vld [tilespmem:s12+$0x0];
	_ =	sdelay $0x4  }
0x12: {  	vm8 =	veq.s32 v2, $0x0  }
0x13: {  	vm9 =	veq.s32 v2, $0x1;
	v1 =	vsel vm8, $0x1, v0  }
0x14: {  	s31 =	simm.s32 $0x10;
	vm8 =	veq.s32 v2, $0x2;
	v3 =	vsel vm9, $0x1, v0;
	(xrf0) =	vadd.scan.msk.s32 $0xffff, v1  }
0x15: {  	vm9 =	veq.s32 v2, $0x3;
	v1 =	vld [tilespmem:s31+$0x0];
	v4 =	vsel vm8, $0x1, v0;
	(xrf0) =	vadd.scan.msk.s32 $0xffff, v3  }
0x16: {  	vm8 =	veq.s32 v2, $0x4;
	v3 =	vsel vm9, $0x1, v0;
	(xrf0) =	vadd.scan.msk.s32 $0xffff, v4  }
0x17: {  	v4 =	vsel vm8, $0x1, v0;
	vm8 =	veq.s32 v2, $0x5;
	(xrf0) =	vadd.scan.msk.s32 $0xffff, v3  }
0x18: {  	v3 =	vsel vm8, $0x1, v0;
	vm8 =	veq.s32 v2, $0x6;
	(xrf0) =	vadd.scan.msk.s32 $0xffff, v4  }
0x19: {  	vm10 =	veq.s32 v2, $0x7;
	v2 =	vimm.s32 $0x0;
	v5 =	vsel vm8, $0x1, v0;
	(xrf0) =	vadd.scan.msk.s32 $0xffff, v3  }
0x1a: {  	s12 =	simm.s32 $0x80;
	vm9 =	veq.s32 v1, $0x3;
	vm8 =	veq.s32 v1, $0x4;
	v3 =	vsel vm10, $0x1, v0;
	v4, _, _ =	vpop (xrf0);
	(xrf0) =	vadd.scan.msk.s32 $0xffff, v5  }
.LBB2_3:
0x1b: {  	p0 =	sne.s32 s12, $0x3FC0;
	vm11 =	veq.s32 v1, $0x1;
	vm10 =	veq.s32 v1, $0x2;
	v4 =	vbroadcast v4, $0xF;
	v5, _, _ =	vpop (xrf0);
	(xrf0) =	vadd.scan.msk.s32 $0xffff, v3  }
0x1c: {  	vm12 =	veq.s32 v1, $0x0;
	v3 =	vsel vm11, $0x1, v0;
	v5 =	vbroadcast v5, $0xF;
	v6, _, _ =	vpop (xrf0)  }
0x1d: {  	v7 =	vsel vm12, $0x1, v0;
	v4 =	vnsel vm0, $0x0, v4;
	v6 =	vbroadcast v6, $0xF;
	v8, _, _ =	vpop (xrf0)  }
0x1e: {  	v2 =	vadd.s32 v2, v4;
	v4 =	vnsel vm1, $0x0, v5;
	v5 =	vbroadcast v8, $0xF;
	v8, _, _ =	vpop (xrf0)  }
0x1f: {  	v2 =	vadd.s32 v4, v2;
	v4 =	vnsel vm2, $0x0, v6;
	v6 =	vbroadcast v8, $0xF;
	v8, _, _ =	vpop (xrf0)  }
0x20: {  	v2 =	vadd.s32 v4, v2;
	v4 =	vnsel vm3, $0x0, v5;
	v5 =	vbroadcast v8, $0xF;
	v8, _, _ =	vpop (xrf0)  }
0x21: {  	v2 =	vadd.s32 v4, v2;
	v4 =	vnsel vm4, $0x0, v6;
	v6 =	vbroadcast v8, $0xF;
	v8, _, _ =	vpop (xrf0)  }
0x22: {  	s13 =	sshra.s32 s12, $0x2;
	(xrf0) =	vadd.scan.msk.s32 $0xffff, v7;
	v2 =	vadd.s32 v4, v2;
	v4 =	vnsel vm5, $0x0, v5;
	v5 =	vbroadcast v8, $0xF;
	v7 =	vmovc v1  }
0x23: {  	v8 =	vsel vm10, $0x1, v0;
	v1 =	vld [tilespmem:s13+$0x0];
	(xrf0) =	vadd.scan.msk.s32 $0xffff, v3;
	v2 =	vadd.s32 v4, v2;
	v3 =	vnsel vm6, $0x0, v6  }
.Ltmp1:
0x24: {  	v4 =	vsel vm9, $0x1, v0;
	(xrf0) =	vadd.scan.msk.s32 $0xffff, v8;
	v2 =	vadd.s32 v3, v2;
	v3 =	vnsel vm7, $0x0, v5;
	(pc) =	sbr.rel @p0 .LBB2_3-.Ltmp1, $4  }
0x25: {  	v5 =	vsel vm8, $0x1, v0;
	vm8 =	veq.s32 v7, $0x5;
	(xrf0) =	vadd.scan.msk.s32 $0xffff, v4;
	v2 =	vadd.s32 v3, v2  }
0x26: {  	v3 =	vsel vm8, $0x1, v0;
	vm8 =	veq.s32 v7, $0x6;
	(xrf0) =	vadd.scan.msk.s32 $0xffff, v5  }
0x27: {  	vm10 =	veq.s32 v7, $0x7;
	v5 =	vsel vm8, $0x1, v0;
	(xrf0) =	vadd.scan.msk.s32 $0xffff, v3  }
0x28: {  	s12 =	sadd.s32 $0x40, s12;
	v3 =	vsel vm10, $0x1, v0;
	vm9 =	veq.s32 v1, $0x3;
	vm8 =	veq.s32 v1, $0x4;
	v4, _, _ =	vpop (xrf0);
	(xrf0) =	vadd.scan.msk.s32 $0xffff, v5  }
0x29: {  	v4 =	vbroadcast v4, $0xF;
	v5, _, _ =	vpop (xrf0)  }
0x2a: {  	vm10 =	veq.s32 v1, $0x1;
	vm11 =	veq.s32 v1, $0x2;
	v5 =	vbroadcast v5, $0xF;
	v7, _, _ =	vpop (xrf0)  }
0x2b: {  	vm12 =	veq.s32 v1, $0x0;
	v4 =	vnsel vm0, $0x0, v4;
	v7 =	vbroadcast v7, $0xF;
	v9, _, _ =	vpop (xrf0)  }
0x2c: {  	(xrf0) =	vadd.scan.msk.s32 $0xffff, v3;
	v2 =	vadd.s32 v2, v4;
	v3 =	vnsel vm1, $0x0, v5;
	v4 =	vbroadcast v9, $0xF  }
0x2d: {  	v8 =	vsel vm12, $0x1, v0;
	v2 =	vadd.s32 v3, v2;
	v3 =	vnsel vm2, $0x0, v7  }
0x2e: {  	v5, _, _ =	vpop (xrf0);
	v2 =	vadd.s32 v3, v2;
	v3 =	vnsel vm3, $0x0, v4;
	v4 =	vsel vm11, $0x1, v0  }
0x2f: {  	v6 =	vsel vm10, $0x1, v0;
	(xrf0) =	vadd.scan.msk.s32 $0xffff, v8;
	v5 =	vbroadcast v5, $0xF;
	v7, _, _ =	vpop (xrf0)  }
0x30: {  	(xrf0) =	vadd.scan.msk.s32 $0xffff, v6;
	v2 =	vadd.s32 v3, v2;
	v3 =	vsel vm9, $0x1, v0;
	v6 =	vbroadcast v7, $0xF  }
0x31: {  	(xrf0) =	vadd.scan.msk.s32 $0xffff, v4;
	v7 =	vsel vm8, $0x1, v0;
	vm8 =	veq.s32 v1, $0x5;
	v4, _, _ =	vpop (xrf0);
	v5 =	vnsel vm4, $0x0, v5  }
0x32: {  	(xrf0) =	vadd.scan.msk.s32 $0xffff, v3;
	v3 =	vbroadcast v4, $0xF;
	v4 =	vsel vm8, $0x1, v0;
	vm8 =	veq.s32 v1, $0x6  }
0x33: {  	(xrf0) =	vadd.scan.msk.s32 $0xffff, v7;
	v2 =	vadd.s32 v5, v2;
	v5 =	vsel vm8, $0x1, v0  }
0x34: {  	v7, _, _ =	vpop (xrf0);
	vm8 =	veq.s32 v1, $0x7;
	(xrf0) =	vadd.scan.msk.s32 $0xffff, v4  }
0x35: {  	v1 =	vnsel vm5, $0x0, v6;
	v4 =	vbroadcast v7, $0xF;
	v6 =	vsel vm8, $0x1, v0;
	v7, _, _ =	vpop (xrf0);
	(xrf0) =	vadd.scan.msk.s32 $0xffff, v5  }
0x36: {  	v1 =	vadd.s32 v1, v2;
	v2 =	vnsel vm6, $0x0, v3;
	v3 =	vbroadcast v7, $0xF;
	v5, _, _ =	vpop (xrf0);
	(xrf0) =	vadd.scan.msk.s32 $0xffff, v6  }
0x37: {  	v1 =	vadd.s32 v2, v1;
	v2 =	vnsel vm7, $0x0, v4;
	v4 =	vbroadcast v5, $0xF;
	v5, _, _ =	vpop (xrf0)  }
0x38: {  	v1 =	vadd.s32 v2, v1;
	v2 =	vnsel vm0, $0x0, v3;
	v3 =	vbroadcast v5, $0xF;
	v5, _, _ =	vpop (xrf0)  }
0x39: {  	v1 =	vadd.s32 v1, v2;
	v2 =	vnsel vm1, $0x0, v4;
	v4 =	vbroadcast v5, $0xF;
	v5, _, _ =	vpop (xrf0)  }
0x3a: {  	v1 =	vadd.s32 v2, v1;
	v2 =	vnsel vm2, $0x0, v3;
	v3 =	vbroadcast v5, $0xF;
	v5, _, _ =	vpop (xrf0)  }
0x3b: {  	v1 =	vadd.s32 v2, v1;
	v2 =	vnsel vm3, $0x0, v4;
	v4 =	vbroadcast v5, $0xF;
	v5, _, _ =	vpop (xrf0)  }
0x3c: {  	v1 =	vadd.s32 v2, v1;
	v2 =	vnsel vm4, $0x0, v3;
	v3 =	vbroadcast v5, $0xF;
	v5, _, _ =	vpop (xrf0)  }
0x3d: {  	v1 =	vadd.s32 v2, v1;
	v2 =	vnsel vm5, $0x0, v4;
	v4 =	vbroadcast v5, $0xF  }
0x3e: {  	v1 =	vadd.s32 v2, v1;
	v2 =	vnsel vm6, $0x0, v3  }
0x3f: {  	v1 =	vadd.s32 v2, v1;
	v2 =	vnsel vm7, $0x0, v4  }
0x40: {  	v1 =	vadd.s32 v2, v1  }
0x41: {  	v1 =	vadd.s32 $0x7F, v1  }
0x42: {  	v1 =	vand.u32 $0xFFFFFF80, v1  }
0x43: {  	(xrf0) =	vadd.scan.msk.s32 $0xffff, v1;
	_ =	sdelay $0x4  }
0x44: {  	[tilespmem:$0x2000] =	vst v0  }
0x45: {  	[tilespmem:$0x2010] =	vst v0;
	v2, _, _ =	vpop (xrf0)  }
0x46: {  	[tilespmem:$0x2020] =	vst v0;
	v1 =	vsub.s32 v2, v1  }
0x47: {  	s12 =	simm.s32 $0x0;
	[tilespmem:$0x2080] =	vst v1  }
0x48: {  	v1 =	vld [tilespmem:s12+$0x0];
	_ =	sdelay $0x4  }
0x49: {  	vm13 =	veq.s32 v1, $0x0  }
0x4a: {  	vm14 =	veq.s32 v1, $0x1;
	v2 =	vsel vm13, $0x1, v0  }
0x4b: {  	vm15 =	veq.s32 v1, $0x2;
	v3 =	vsel vm14, $0x1, v0;
	(xrf0) =	vadd.scan.msk.s32 $0xffff, v2  }
0x4c: {  	vm12 =	veq.s32 v1, $0x3;
	v2 =	vsel vm15, $0x1, v0;
	(xrf0) =	vadd.scan.msk.s32 $0xffff, v3  }
0x4d: {  	vm11 =	veq.s32 v1, $0x4;
	vm8 =	veq.s32 v1, $0x5;
	v3 =	vsel vm12, $0x1, v0;
	(xrf0) =	vadd.scan.msk.s32 $0xffff, v2  }
0x4e: {  	v2 =	vsel vm11, $0x1, v0;
	(xrf0) =	vadd.scan.msk.s32 $0xffff, v3;
	v3 =	vsel vm8, $0x1, v0  }
0x4f: {  	(xrf0) =	vadd.scan.msk.s32 $0xffff, v2;
	_ =	sdelay $0x1  }
0x50: {  	vm10 =	veq.s32 v1, $0x6;
	v2 =	vld [tilespmem:$0x2080];
	(xrf0) =	vadd.scan.msk.s32 $0xffff, v3;
	v3, _, _ =	vpop (xrf0)  }
0x51: {  	vm9 =	veq.s32 v1, $0x7;
	v7 =	vsel vm10, $0x1, v0;
	v4 =	vadd.s32 $0xFFFFFFFF, v3;
	v5, _, _ =	vpop (xrf0)  }
0x52: {  	v3 =	vbroadcast v3, $0xF;
	v4 =	vnsel vm13, $0x0, v4;
	v6 =	vadd.s32 $0xFFFFFFFF, v5;
	v58, _, _ =	vpop (xrf0)  }
0x53: {  	(xrf0) =	vadd.scan.msk.s32 $0xffff, v7;
	v7 =	vsel vm9, $0x1, v0;
	v4 =	vsel vm14, v6, v4;
	v6 =	vadd.s32 $0xFFFFFFFF, v58;
	v59, _, _ =	vpop (xrf0)  }
0x54: {  	(xrf0) =	vadd.scan.msk.s32 $0xffff, v7;
	v5 =	vbroadcast v5, $0xF;
	v3 =	vnsel vm0, $0x0, v3;
	v4 =	vsel vm15, v6, v4;
	v60, _, _ =	vpop (xrf0)  }
0x55: {  	v6 =	vbroadcast v58, $0xF;
	v2 =	vadd.s32 v2, v3;
	v7 =	vbroadcast v60, $0xF  }
0x56: {  	v3 =	vadd.s32 $0xFFFFFFFF, v59;
	v9 =	vbroadcast v59, $0xF;
	v5 =	vnsel vm1, $0x0, v5  }
0x57: {  	v10, _, _ =	vpop (xrf0);
	v3 =	vsel vm12, v3, v4;
	v4 =	vadd.s32 $0xFFFFFFFF, v60;
	v2 =	vadd.s32 v5, v2  }
0x58: {  	v62 =	vld.idx.msk [tilespmem:v1+s8+$0x0], $0xffff;
	v11 =	vadd.s32 $0xFFFFFFFF, v10;
	v6 =	vnsel vm2, $0x0, v6;
	v61 =	vnsel vm3, $0x0, v9  }
0x59: {  	v3 =	vsel vm11, v4, v3;
	v4 =	vbroadcast v10, $0xF;
	v5 =	vnsel vm4, $0x0, v7;
	v7, _, _ =	vpop (xrf0)  }
0x5a: {  	v3 =	vsel vm8, v11, v3;
	v2 =	vadd.s32 v6, v2;
	v6 =	vadd.s32 $0xFFFFFFFF, v7;
	v63, _, _ =	vpop (xrf0)  }
0x5b: {  	v4 =	vnsel vm5, $0x0, v4;
	v3 =	vsel vm10, v6, v3;
	v6 =	vadd.s32 $0xFFFFFFFF, v63  }
0x5c: {  	v2 =	vadd.s32 v61, v2;
	v7 =	vbroadcast v7, $0xF;
	v3 =	vsel vm9, v6, v3  }
0x5d: {  	v5 =	vadd.s32 v5, v2;
	v6 =	vbroadcast v63, $0xF;
	v2 =	vadd.s32 v62, v3  }
0x5e: {  	v5 =	vadd.s32 v4, v5;
	v7 =	vnsel vm6, $0x0, v7;
	v3 =	vshra.s32 v2, $0x7  }
0x5f: {  	s13 =	simm.s32 $0x40;
	v5 =	vadd.s32 v7, v5;
	v4 =	vnsel vm7, $0x0, v6  }
.LBB2_5:
0x60: {  	p0 =	sne.s32 s13, $0x3FC0;
	v4 =	vadd.s32 v4, v5;
	s14 =	smov.u32 s13;
	s13 =	sadd.s32 $0x40, s13  }
0x61: {  	[tilespmem:$0x2080] =	vst v4  }
0x62: {  	[tilespmem:s12+$0x1000] =	vst v2  }
0x63: {  	s12 =	sshra.s32 s14, $0x2;
	[tilespmem:v3+s9+$0x0] =	vst.idx.msk $0xffff, v1  }
0x64: {  	v1 =	vld [tilespmem:s12+$0x0];
	_ =	sdelay $0x4  }
0x65: {  	vm15 =	veq.s32 v1, $0x0;
	vm8 =	veq.s32 v1, $0x5  }
0x66: {  	vm14 =	veq.s32 v1, $0x1;
	v2 =	vsel vm15, $0x1, v0;
	v3 =	vsel vm8, $0x1, v0  }
0x67: {  	vm13 =	veq.s32 v1, $0x2;
	v4 =	vsel vm14, $0x1, v0;
	(xrf0) =	vadd.scan.msk.s32 $0xffff, v2  }
0x68: {  	vm11 =	veq.s32 v1, $0x3;
	v2 =	vsel vm13, $0x1, v0;
	(xrf0) =	vadd.scan.msk.s32 $0xffff, v4  }
0x69: {  	vm12 =	veq.s32 v1, $0x4;
	v4 =	vsel vm11, $0x1, v0;
	(xrf0) =	vadd.scan.msk.s32 $0xffff, v2  }
0x6a: {  	v2 =	vsel vm12, $0x1, v0;
	(xrf0) =	vadd.scan.msk.s32 $0xffff, v4  }
0x6b: {  	(xrf0) =	vadd.scan.msk.s32 $0xffff, v2  }
0x6c: {  	(xrf0) =	vadd.scan.msk.s32 $0xffff, v3  }
0x6d: {  	vm10 =	veq.s32 v1, $0x6;
	vm9 =	veq.s32 v1, $0x7;
	v2 =	vld [tilespmem:$0x2080];
	v3, _, _ =	vpop (xrf0)  }
0x6e: {  	v5 =	vsel vm10, $0x1, v0;
	v4 =	vadd.s32 $0xFFFFFFFF, v3;
	v3 =	vbroadcast v3, $0xF;
	v6, _, _ =	vpop (xrf0)  }
0x6f: {  	v4 =	vnsel vm15, $0x0, v4;
	v7 =	vadd.s32 $0xFFFFFFFF, v6;
	v6 =	vbroadcast v6, $0xF;
	v8, _, _ =	vpop (xrf0);
	(xrf0) =	vadd.scan.msk.s32 $0xffff, v5  }
0x70: {  	v4 =	vsel vm14, v7, v4;
	v5 =	vadd.s32 $0xFFFFFFFF, v8;
	v7 =	vsel vm9, $0x1, v0;
	v9, _, _ =	vpop (xrf0)  }
0x71: {  	v3 =	vnsel vm0, $0x0, v3;
	v4 =	vsel vm13, v5, v4;
	v5 =	vbroadcast v8, $0xF;
	v8, _, _ =	vpop (xrf0);
	(xrf0) =	vadd.scan.msk.s32 $0xffff, v7  }
0x72: {  	v2 =	vadd.s32 v2, v3;
	v3 =	vadd.s32 $0xFFFFFFFF, v9;
	v13 =	vbroadcast v8, $0xF;
	v10, _, _ =	vpop (xrf0)  }
0x73: {  	v6 =	vnsel vm1, $0x0, v6;
	v9 =	vbroadcast v9, $0xF;
	v11 =	vadd.s32 $0xFFFFFFFF, v10  }
0x74: {  	v5 =	vnsel vm2, $0x0, v5;
	v3 =	vsel vm11, v3, v4;
	v4 =	vadd.s32 $0xFFFFFFFF, v8;
	v12 =	vld.idx.msk [tilespmem:v1+s8+$0x0], $0xffff  }
0x75: {  	v8 =	vnsel vm3, $0x0, v9;
	v3 =	vsel vm12, v4, v3;
	v4 =	vnsel vm4, $0x0, v13;
	v7, _, _ =	vpop (xrf0)  }
0x76: {  	v2 =	vadd.s32 v6, v2;
	v6 =	vbroadcast v10, $0xF;
	v3 =	vsel vm8, v11, v3  }
0x77: {  	v2 =	vadd.s32 v5, v2;
	v5 =	vadd.s32 $0xFFFFFFFF, v7;
	v7 =	vbroadcast v7, $0xF;
	v9, _, _ =	vpop (xrf0)  }
.Ltmp2:
0x78: {  	v6 =	vnsel vm5, $0x0, v6;
	v3 =	vsel vm10, v5, v3;
	v5 =	vadd.s32 $0xFFFFFFFF, v9;
	(pc) =	sbr.rel @p0 .LBB2_5-.Ltmp2, $4  }
0x79: {  	v2 =	vadd.s32 v8, v2;
	v3 =	vsel vm9, v5, v3;
	v5 =	vbroadcast v9, $0xF  }
0x7a: {  	v4 =	vadd.s32 v4, v2;
	v7 =	vnsel vm6, $0x0, v7;
	v2 =	vadd.s32 v12, v3  }
0x7b: {  	v6 =	vadd.s32 v6, v4;
	v4 =	vnsel vm7, $0x0, v5;
	v3 =	vshra.s32 v2, $0x7  }
0x7c: {  	v5 =	vadd.s32 v7, v6  }
0x7d: {  	_ = 	snop  }
0x7e: {  	v4 =	vadd.s32 v4, v5  }
0x7f: {  	[tilespmem:$0x2080] =	vst v4  }
0x80: {  	[tilespmem:s12+$0x1000] =	vst v2  }
0x81: {  	[tilespmem:v3+s9+$0x0] =	vst.idx.msk $0xffff, v1  }
0x82: {  	[hbm4b:s3+s6] =	stream.linear.scatter [tilespmem:s10], [sflag:$0x1], $0x1000, $0x38;
	[tilespmem:$0x2100] =	vst v63  }
0x83: {  	s11 =	sadd.s32 $0x1, s11;
	_ =	swait.ge [sflag:s7], $0x1000  }
0x84: {  	p0 =	sne.s32 s11, s5;
	[sflag:s7] =	ssyncset.done $0x0  }
.Ltmp3:
0x85: {  	[sflag:s7] =	ssyncadd.s32 $0xFFFFF000;
	(pc) =	sbr.rel @p0 .LBB2_2-.Ltmp3, $4  }
0x86: {  	[hbm4b:s4+s6] =	stream.linear.scatter [tilespmem:s9], [sflag:$0x1], $0x80, $0x38;
	[tilespmem:$0x2100] =	vst v63  }
0x87: {  	_ =	swait.ge [sflag:s7], $0x80  }
0x88: {  	[sflag:s7] =	ssyncset.done $0x0  }
0x89: {  	[sflag:s7] =	ssyncadd.s32 $0xFFFFFF80  }
.LBB2_7:
0x8a: {  	_ =	sfence.sel $0x180000  }
0x8b: {  	[bflag:$0x0] =	sbarrier.arrive $0xFFFF  }
0x8c: {  	p0 =	sne.s32 s0, $0x0;
	_ =	strace $0x90000047  }
0x8d: {  	s0 =	sadd.s32 @!p0 $0x100000, s1;
	[bflag:$0x2] =	sbarrier.arrive $0xFFFF  }
0x8e: {  	[sflag:s0] =	ssyncadd.tile.s32 @!p0 $0x1;
	_ =	shalt  }
.Lfunc_end2:
_tile_overlayer_lowered:
.L_overlay_start_2:
0x8f: {  	(tag) =	ssettag $0x2  }
0x90: {  	s0 =	rddreg [dreg:$0x0];
	s2 =	stileid.u32  }
0x91: {  	s1 =	rddreg [dreg:$0x1];
	p0 =	sne.s32 s2, $0x0  }
0x92: {  	s3 =	rddreg [dreg:$0x2];
	[bflag:$0x3] =	sbarrier.arrive $0xFFFF;
	s2 =	simm.s32 @!p0 $0x1C01  }
0x93: {  	[timem:s3], [sflag:s2] =	dma.local @!p0 [hbm:s0], s1  }
0x94: {  	s0 =	simm.s32 @!p0 $0x1  }
0x95: {  	_ =	swait.ge @!p0 [sflag:s0], s1  }
0x96: {  	s1 =	ssub.s32 @!p0 $0x0, s1;
	[sflag:s0] =	ssyncset.done @!p0 $0x0  }
0x97: {  	[sflag:s0] =	ssyncadd.s32 @!p0 s1  }
0x98: {  	[bflag:$0x3] =	sbarrier.arrive $0xFFFF  }
0x99: {  	_ =	shalt  }

</sc_bundles>
